<compile_context>
chip_gen: v7x
topology: tpu7x:2x2x1
jax: 0.10.2.dev20260603
libtpu: 0.0.44.dev20260713+nightly
codegen_flags: <defaults>
</compile_context>

<pallas_src>
import jax
import jax.numpy as jnp
from jax import lax
from jax.experimental import pallas as pl
from jax.experimental.pallas import tpu as pltpu
from jax.experimental.pallas import tpu_sc as plsc

IN_C = 16
OUT_C = 32
K = 3
B = 2
H = 16
W = 16
NA = 256
NJ = IN_C * K * K
HP = H + 2
WP = W + 2
ZNP = 656
L = 16
NX = B * IN_C * H * W


def _lut_tc_body(pc_ref, lut_ref):
  pc = pc_ref[...].astype(jnp.int32)
  lut_ref[...] = jnp.sum(pc, axis=(1, 2, 3))


def _tec_body(x_hbm, bias_hbm, lut_hbm, out_hbm,
              x_v, xi_sl, xi_v, lut_v, z_v, bias_v, out_v, xi_sh):
  c = lax.axis_index("c")
  s = lax.axis_index("s")
  oc = s * 2 + c

  iota = lax.iota(jnp.int32, L)
  zeros_i = jnp.zeros((L,), jnp.int32)

  pltpu.sync_copy(lut_hbm.at[oc], lut_v)

  NSL = NX // 16
  QU = 4
  pltpu.sync_copy(x_hbm.at[pl.ds(s * NSL, NSL)], x_v)
  def quant_body(i, _):
    for u in range(QU):
      off = pl.multiple_of(i * QU * L + u * L, L)
      v = x_v[pl.ds(off, L)]
      xi_sl[pl.ds(off, L)] = (v * 255.0 + 0.5).astype(jnp.int32)
    return 0
  lax.fori_loop(0, NSL // (QU * L), quant_body, 0)
  pltpu.sync_copy(xi_sl, xi_sh.at[pl.ds(s * NSL, NSL)])
  pltpu.sync_copy(bias_hbm, bias_v)
  plsc.subcore_barrier()
  pltpu.sync_copy(xi_sh, xi_v)

  lut00 = jnp.sum(jnp.where(iota == 0, lut_v[pl.ds(0, L)], 0))
  v0 = jnp.full((L,), lut00 * IN_C, jnp.int32)
  def zinit_body(i, _):
    z_v[pl.ds(i * L, L)] = v0
    return 0
  lax.fori_loop(0, ZNP // L, zinit_body, 0)

  for b in range(B):
    def h_body(h, _):
      hbase = pl.multiple_of((b * IN_C * H + h) * W, L)
      acc = zeros_i
      for ic in range(IN_C):
        idx = xi_v[pl.ds(hbase + ic * H * W, L)]
        acc = acc + plsc.load_gather(lut_v, [idx])
      zbase = (b * HP + h + 1) * WP + 1
      plsc.store_scatter(z_v, [zbase + iota], acc)
      return 0
    lax.fori_loop(0, H, h_body, 0)

  bias_g = plsc.load_gather(bias_v, [jnp.full((L,), oc, jnp.int32)])
  for b in range(B):
    def oh_body(oh, _):
      acc = zeros_i
      for dh in range(K):
        for dw in range(K):
          zbase = (b * HP + oh + dh) * WP + dw
          acc = acc + plsc.load_gather(z_v, [zbase + iota])
      out_v[b, oh, :] = acc.astype(jnp.float32) + bias_g
      return 0
    lax.fori_loop(0, H, oh_body, 0)

  for b in range(B):
    pltpu.sync_copy(out_v.at[b], out_hbm.at[b, oc])


@jax.jit
def _pcilt_conv(x_flat, bias, pc_t):
  lut = pl.pallas_call(
      _lut_tc_body,
      out_shape=jax.ShapeDtypeStruct((OUT_C, NA), jnp.int32),
  )(pc_t)

  f = pl.kernel(
      _tec_body,
      out_type=jax.ShapeDtypeStruct((B, OUT_C, H, W), jnp.float32),
      mesh=plsc.VectorSubcoreMesh(core_axis_name="c", subcore_axis_name="s"),
      compiler_params=pltpu.CompilerParams(
          use_tc_tiling_on_sc=False, needs_layout_passes=False),
      scratch_types=[
          pltpu.VMEM((NX // 16,), jnp.float32),
          pltpu.VMEM((NX // 16,), jnp.int32),
          pltpu.VMEM((NX,), jnp.int32),
          pltpu.VMEM((NA,), jnp.int32),
          pltpu.VMEM((ZNP,), jnp.int32),
          pltpu.VMEM((OUT_C,), jnp.float32),
          pltpu.VMEM((B, H, W), jnp.float32),
          pltpu.VMEM_SHARED((NX,), jnp.int32),
      ],
  )
  return f(x_flat, bias, lut)


def kernel(x, weight, bias, pcilt):
  del weight
  pc_t = pcilt.transpose(0, 2, 3, 1, 4)
  return _pcilt_conv(x.reshape(-1), bias, pc_t)

# --- scband reference (transcript-rebuilt; emitter-appended) ---
"""Pipeline reference for scband-pciltconv2d-70892730187911 (READ-ONLY COPY).

The authoritative reference and input builder live on the scoring server;
editing this copy changes nothing except your own understanding.
"""

import jax, jax.numpy as jnp
import numpy as np

IN_C = 16
OUT_C = 32
K = 3
STRIDE = 1
PAD = 1
ABITS = 8
WBITS = 6


def _make_pcilt(weight):
    weight_range = 2 ** WBITS
    qw = jnp.clip(jnp.round(weight * (weight_range - 1)), 0, weight_range - 1)
    i = jnp.arange(2 ** ABITS, dtype=jnp.float32)
    # pcilt[oc, ic, kh, kw, a] = int16(qw[oc, ic, kh, kw] * a)
    return (qw[..., None] * i).astype(jnp.int16)


def setup_inputs(seed: int = 0) -> dict:
    key = jax.random.key(seed)
    k1, k2 = jax.random.split(key)
    x = jax.random.uniform(k1, (2, IN_C, 16, 16), dtype=jnp.float32)
    weight = jax.random.normal(k2, (OUT_C, IN_C, K, K), dtype=jnp.float32)
    bias = jnp.zeros((OUT_C,), dtype=jnp.float32)
    pcilt = _make_pcilt(weight)
    return {"x": x, "weight": weight, "bias": bias, "pcilt": pcilt}


def reference(x, weight, bias, pcilt):
    amax = 2 ** ABITS - 1
    x_quant = jnp.clip(jnp.round(x * amax), 0, amax).astype(jnp.int32)
    xp = jnp.pad(x_quant, ((0, 0), (0, 0), (PAD, PAD), (PAD, PAD)))
    B, C, H, W = xp.shape
    OH = (H - K) // STRIDE + 1
    OW = (W - K) // STRIDE + 1
    rows = jnp.arange(OH)[:, None] * STRIDE + jnp.arange(K)[None, :]  # [OH, K]
    cols = jnp.arange(OW)[:, None] * STRIDE + jnp.arange(K)[None, :]  # [OW, K]
    p = xp[:, :, rows, :]            # [B, C, OH, K, W]
    p = p[:, :, :, :, cols]          # [B, C, OH, K, OW, K]
    patches = jnp.transpose(p, (0, 2, 4, 1, 3, 5))  # [B, OH, OW, C, K, K]
    # The torch forward gathers pcilt[:, :, :, :, patch] -> [OC, IC, K, K, IC, K, K]
    # and sums over dims 1..6. Since pcilt[oc, ic1, kh1, kw1, a] does not depend on
    # (ic2, kh2, kw2) except through the lookup value a, the sum factorizes exactly:
    #   out[oc] = sum_{ic2,kh2,kw2} lut[oc, patch[ic2,kh2,kw2]]
    # where lut[oc, a] = sum_{ic1,kh1,kw1} pcilt[oc, ic1, kh1, kw1, a] (in float32,
    # matching the .to(float32) cast before the sum).
    lut = pcilt.astype(jnp.float32).sum(axis=(1, 2, 3))  # [OC, 2**ABITS]
    vals = jnp.take(lut, patches, axis=1)  # [OC, B, OH, OW, C, K, K]
    out = vals.sum(axis=(4, 5, 6))         # [OC, B, OH, OW]
    out = jnp.transpose(out, (1, 0, 2, 3)) + bias[None, :, None, None]
    return out

if __name__ == "__main__":
    import jax
    _d = setup_inputs()
    print(jax.jit(kernel)(*tuple(_d.values())))

</pallas_src>

<mosaic_0001>
#map = affine_map<(d0, d1) -> (0)>
#map1 = affine_map<(d0, d1) -> (0, 0)>
#map2 = affine_map<(d0, d1) -> (0, 0, 0, 0)>
module attributes {stable_mosaic.version = 14 : i64} {
  func.func @_tec_body(%arg0: i32, %arg1: i32, %arg2: memref<8192xf32, #tpu.memory_space<hbm>>, %arg3: memref<32xf32, #tpu.memory_space<hbm>>, %arg4: memref<32x256xi32, #tpu.memory_space<hbm>>, %arg5: memref<2x32x16x16xf32, #tpu.memory_space<hbm>>, %arg6: memref<512xf32, #tpu.memory_space<vmem>>, %arg7: memref<512xi32, #tpu.memory_space<vmem>>, %arg8: memref<8192xi32, #tpu.memory_space<vmem>>, %arg9: memref<256xi32, #tpu.memory_space<vmem>>, %arg10: memref<656xi32, #tpu.memory_space<vmem>>, %arg11: memref<32xf32, #tpu.memory_space<vmem>>, %arg12: memref<2x16x16xf32, #tpu.memory_space<vmem>>, %arg13: memref<8192xi32, #tpu.memory_space<vmem_shared>>) attributes {dimension_semantics = [#tpu.dimension_semantics<core_parallel>, #tpu.dimension_semantics<subcore_parallel>], iteration_bounds = array<i64: 2, 16>, scalar_prefetch = 0 : i64, scratch_operands = 8 : i64, tpu.core_type = #tpu.core_type<sc_vector_subcore>, window_params = [{transform_indices = #map}, {transform_indices = #map}, {transform_indices = #map1}, {transform_indices = #map2}]} {
    %mul3A = arith.constant 2 : i32
    %mul3A_0 = arith.muli %arg1, %mul3A : i32
    %add3A = arith.addi %mul3A_0, %arg0 : i32
    %iota3A = tpu.iota {dimensions = array<i32: 0>} : vector<16xi32>
    %broadcast_in_dim3A = arith.constant 0 : i32
    %broadcast_in_dim3A_1 = vector.broadcast %broadcast_in_dim3A : i32 to vector<16xi32>
    "tpu.region"() ({
      %run_scoped3A_61 = tpu.sem_alloc : memref<!tpu.dma_semaphore, #tpu.memory_space<semaphore_mem>>
      %dma_start3A = arith.constant 0 : i32
      %dma_start3A_62 = tpu.memref_slice %arg4[%add3A, %dma_start3A] : memref<32x256xi32, #tpu.memory_space<hbm>> -> memref<1x256xi32, #tpu.memory_space<hbm>>
      %dma_start3A_63 = tpu.memref_squeeze %dma_start3A_62 : memref<1x256xi32, #tpu.memory_space<hbm>> -> memref<256xi32, #tpu.memory_space<hbm>>
      %dma_start3A_64 = arith.constant 0 : i32
      %dma_start3A_65 = tpu.memref_slice %arg4[%add3A, %dma_start3A_64] : memref<32x256xi32, #tpu.memory_space<hbm>> -> memref<1x256xi32, #tpu.memory_space<hbm>>
      %dma_start3A_66 = tpu.memref_squeeze %dma_start3A_65 : memref<1x256xi32, #tpu.memory_space<hbm>> -> memref<256xi32, #tpu.memory_space<hbm>>
      tpu.enqueue_dma source(%dma_start3A_66 : memref<256xi32, #tpu.memory_space<hbm>>) target(%arg9 : memref<256xi32, #tpu.memory_space<vmem>>) target_semaphore(%run_scoped3A_61 : memref<!tpu.dma_semaphore, #tpu.memory_space<semaphore_mem>>)
      %dma_wait3A = arith.constant 0 : i32
      %dma_wait3A_67 = tpu.memref_slice %arg4[%add3A, %dma_wait3A] : memref<32x256xi32, #tpu.memory_space<hbm>> -> memref<1x256xi32, #tpu.memory_space<hbm>>
      %dma_wait3A_68 = tpu.memref_squeeze %dma_wait3A_67 : memref<1x256xi32, #tpu.memory_space<hbm>> -> memref<256xi32, #tpu.memory_space<hbm>>
      %dma_wait3A_69 = arith.constant 0 : i32
      %dma_wait3A_70 = tpu.memref_slice %arg4[%add3A, %dma_wait3A_69] : memref<32x256xi32, #tpu.memory_space<hbm>> -> memref<1x256xi32, #tpu.memory_space<hbm>>
      %dma_wait3A_71 = tpu.memref_squeeze %dma_wait3A_70 : memref<1x256xi32, #tpu.memory_space<hbm>> -> memref<256xi32, #tpu.memory_space<hbm>>
      tpu.wait_dma2 semaphore(%run_scoped3A_61 : memref<!tpu.dma_semaphore, #tpu.memory_space<semaphore_mem>>) src(%dma_wait3A_71 : memref<256xi32, #tpu.memory_space<hbm>>) dst(%arg9 : memref<256xi32, #tpu.memory_space<vmem>>)
      tpu.yield
    }) : () -> ()
    %mul3A_2 = arith.constant 512 : i32
    %mul3A_3 = arith.muli %arg1, %mul3A_2 : i32
    "tpu.region"() ({
      %run_scoped3A_61 = tpu.sem_alloc : memref<!tpu.dma_semaphore, #tpu.memory_space<semaphore_mem>>
      %dma_start3A = tpu.memref_slice %arg2[%mul3A_3] : memref<8192xf32, #tpu.memory_space<hbm>> -> memref<512xf32, #tpu.memory_space<hbm>>
      %dma_start3A_62 = tpu.memref_slice %arg2[%mul3A_3] : memref<8192xf32, #tpu.memory_space<hbm>> -> memref<512xf32, #tpu.memory_space<hbm>>
      tpu.enqueue_dma source(%dma_start3A_62 : memref<512xf32, #tpu.memory_space<hbm>>) target(%arg6 : memref<512xf32, #tpu.memory_space<vmem>>) target_semaphore(%run_scoped3A_61 : memref<!tpu.dma_semaphore, #tpu.memory_space<semaphore_mem>>)
      %dma_wait3A = tpu.memref_slice %arg2[%mul3A_3] : memref<8192xf32, #tpu.memory_space<hbm>> -> memref<512xf32, #tpu.memory_space<hbm>>
      %dma_wait3A_63 = tpu.memref_slice %arg2[%mul3A_3] : memref<8192xf32, #tpu.memory_space<hbm>> -> memref<512xf32, #tpu.memory_space<hbm>>
      tpu.wait_dma2 semaphore(%run_scoped3A_61 : memref<!tpu.dma_semaphore, #tpu.memory_space<semaphore_mem>>) src(%dma_wait3A_63 : memref<512xf32, #tpu.memory_space<hbm>>) dst(%arg6 : memref<512xf32, #tpu.memory_space<vmem>>)
      tpu.yield
    }) : () -> ()
    %scan3A = arith.constant 0 : i32
    %scan3A_4 = arith.constant 0 : i32
    %scan3A_5 = arith.constant 8 : i32
    %scan3A_6 = arith.addi %scan3A_4, %scan3A_5 : i32
    %scan3A_7 = arith.constant 1 : i32
    %scan3A_8 = scf.for %scan3A_61 = %scan3A_4 to %scan3A_6 step %scan3A_7 iter_args(%scan3A_62 = %scan3A) -> (i32)  : i32 {
      %mul3A_63 = arith.constant 4 : i32
      %mul3A_64 = arith.muli %scan3A_61, %mul3A_63 : i32
      %mul3A_65 = arith.constant 16 : i32
      %mul3A_66 = arith.muli %mul3A_64, %mul3A_65 : i32
      %add3A_67 = arith.constant 0 : i32
      %add3A_68 = arith.addi %mul3A_66, %add3A_67 : i32
      %multiple_of3A = tpu.assume_multiple %add3A_68, 16 : i32
      %get3A_69 = arith.index_cast %multiple_of3A : i32 to index
      %get3A_70 = tpu.vector_load %arg6[%get3A_69] {strides = array<i32>} : memref<512xf32, #tpu.memory_space<vmem>>, vector<16xf32>,
      %mul3A_71 = arith.constant 2.550000e+02 : f32
      %mul3A_72 = vector.broadcast %mul3A_71 : f32 to vector<16xf32>
      %mul3A_73 = arith.mulf %get3A_70, %mul3A_72 : vector<16xf32>
      %add3A_74 = arith.constant 5.000000e-01 : f32
      %add3A_75 = vector.broadcast %add3A_74 : f32 to vector<16xf32>
      %add3A_76 = arith.addf %mul3A_73, %add3A_75 : vector<16xf32>
      %convert_element_type3A = arith.fptosi %add3A_76 : vector<16xf32> to vector<16xi32>
      %swap3A = arith.index_cast %multiple_of3A : i32 to index
      %swap3A_77 = tpu.vector_load %arg7[%swap3A] {strides = array<i32>} : memref<512xi32, #tpu.memory_space<vmem>>, vector<16xi32>,
      tpu.vector_store %arg7[%swap3A], %convert_element_type3A {strides = array<i32>} : memref<512xi32, #tpu.memory_space<vmem>>, vector<16xi32>,
      %mul3A_78 = arith.constant 4 : i32
      %mul3A_79 = arith.muli %scan3A_61, %mul3A_78 : i32
      %mul3A_80 = arith.constant 16 : i32
      %mul3A_81 = arith.muli %mul3A_79, %mul3A_80 : i32
      %add3A_82 = arith.constant 16 : i32
      %add3A_83 = arith.addi %mul3A_81, %add3A_82 : i32
      %multiple_of3A_84 = tpu.assume_multiple %add3A_83, 16 : i32
      %get3A_85 = arith.index_cast %multiple_of3A_84 : i32 to index
      %get3A_86 = tpu.vector_load %arg6[%get3A_85] {strides = array<i32>} : memref<512xf32, #tpu.memory_space<vmem>>, vector<16xf32>,
      %mul3A_87 = arith.constant 2.550000e+02 : f32
      %mul3A_88 = vector.broadcast %mul3A_87 : f32 to vector<16xf32>
      %mul3A_89 = arith.mulf %get3A_86, %mul3A_88 : vector<16xf32>
      %add3A_90 = arith.constant 5.000000e-01 : f32
      %add3A_91 = vector.broadcast %add3A_90 : f32 to vector<16xf32>
      %add3A_92 = arith.addf %mul3A_89, %add3A_91 : vector<16xf32>
      %convert_element_type3A_93 = arith.fptosi %add3A_92 : vector<16xf32> to vector<16xi32>
      %swap3A_94 = arith.index_cast %multiple_of3A_84 : i32 to index
      %swap3A_95 = tpu.vector_load %arg7[%swap3A_94] {strides = array<i32>} : memref<512xi32, #tpu.memory_space<vmem>>, vector<16xi32>,
      tpu.vector_store %arg7[%swap3A_94], %convert_element_type3A_93 {strides = array<i32>} : memref<512xi32, #tpu.memory_space<vmem>>, vector<16xi32>,
      %mul3A_96 = arith.constant 4 : i32
      %mul3A_97 = arith.muli %scan3A_61, %mul3A_96 : i32
      %mul3A_98 = arith.constant 16 : i32
      %mul3A_99 = arith.muli %mul3A_97, %mul3A_98 : i32
      %add3A_100 = arith.constant 32 : i32
      %add3A_101 = arith.addi %mul3A_99, %add3A_100 : i32
      %multiple_of3A_102 = tpu.assume_multiple %add3A_101, 16 : i32
      %get3A_103 = arith.index_cast %multiple_of3A_102 : i32 to index
      %get3A_104 = tpu.vector_load %arg6[%get3A_103] {strides = array<i32>} : memref<512xf32, #tpu.memory_space<vmem>>, vector<16xf32>,
      %mul3A_105 = arith.constant 2.550000e+02 : f32
      %mul3A_106 = vector.broadcast %mul3A_105 : f32 to vector<16xf32>
      %mul3A_107 = arith.mulf %get3A_104, %mul3A_106 : vector<16xf32>
      %add3A_108 = arith.constant 5.000000e-01 : f32
      %add3A_109 = vector.broadcast %add3A_108 : f32 to vector<16xf32>
      %add3A_110 = arith.addf %mul3A_107, %add3A_109 : vector<16xf32>
      %convert_element_type3A_111 = arith.fptosi %add3A_110 : vector<16xf32> to vector<16xi32>
      %swap3A_112 = arith.index_cast %multiple_of3A_102 : i32 to index
      %swap3A_113 = tpu.vector_load %arg7[%swap3A_112] {strides = array<i32>} : memref<512xi32, #tpu.memory_space<vmem>>, vector<16xi32>,
      tpu.vector_store %arg7[%swap3A_112], %convert_element_type3A_111 {strides = array<i32>} : memref<512xi32, #tpu.memory_space<vmem>>, vector<16xi32>,
      %mul3A_114 = arith.constant 4 : i32
      %mul3A_115 = arith.muli %scan3A_61, %mul3A_114 : i32
      %mul3A_116 = arith.constant 16 : i32
      %mul3A_117 = arith.muli %mul3A_115, %mul3A_116 : i32
      %add3A_118 = arith.constant 48 : i32
      %add3A_119 = arith.addi %mul3A_117, %add3A_118 : i32
      %multiple_of3A_120 = tpu.assume_multiple %add3A_119, 16 : i32
      %get3A_121 = arith.index_cast %multiple_of3A_120 : i32 to index
      %get3A_122 = tpu.vector_load %arg6[%get3A_121] {strides = array<i32>} : memref<512xf32, #tpu.memory_space<vmem>>, vector<16xf32>,
      %mul3A_123 = arith.constant 2.550000e+02 : f32
      %mul3A_124 = vector.broadcast %mul3A_123 : f32 to vector<16xf32>
      %mul3A_125 = arith.mulf %get3A_122, %mul3A_124 : vector<16xf32>
      %add3A_126 = arith.constant 5.000000e-01 : f32
      %add3A_127 = vector.broadcast %add3A_126 : f32 to vector<16xf32>
      %add3A_128 = arith.addf %mul3A_125, %add3A_127 : vector<16xf32>
      %convert_element_type3A_129 = arith.fptosi %add3A_128 : vector<16xf32> to vector<16xi32>
      %swap3A_130 = arith.index_cast %multiple_of3A_120 : i32 to index
      %swap3A_131 = tpu.vector_load %arg7[%swap3A_130] {strides = array<i32>} : memref<512xi32, #tpu.memory_space<vmem>>, vector<16xi32>,
      tpu.vector_store %arg7[%swap3A_130], %convert_element_type3A_129 {strides = array<i32>} : memref<512xi32, #tpu.memory_space<vmem>>, vector<16xi32>,
      %scan3A_132 = arith.constant 0 : i32
      scf.yield %scan3A_132 : i32
    }
    %scan3A_9 = arith.constant 8 : i32
    %mul3A_10 = arith.constant 512 : i32
    %mul3A_11 = arith.muli %arg1, %mul3A_10 : i32
    "tpu.region"() ({
      %run_scoped3A_61 = tpu.sem_alloc : memref<!tpu.dma_semaphore, #tpu.memory_space<semaphore_mem>>
      %dma_start3A = tpu.memref_slice %arg13[%mul3A_11] : memref<8192xi32, #tpu.memory_space<vmem_shared>> -> memref<512xi32, #tpu.memory_space<vmem_shared>>
      %dma_start3A_62 = tpu.memref_slice %arg13[%mul3A_11] : memref<8192xi32, #tpu.memory_space<vmem_shared>> -> memref<512xi32, #tpu.memory_space<vmem_shared>>
      tpu.enqueue_dma source(%arg7 : memref<512xi32, #tpu.memory_space<vmem>>) target(%dma_start3A_62 : memref<512xi32, #tpu.memory_space<vmem_shared>>) target_semaphore(%run_scoped3A_61 : memref<!tpu.dma_semaphore, #tpu.memory_space<semaphore_mem>>)
      %dma_wait3A = tpu.memref_slice %arg13[%mul3A_11] : memref<8192xi32, #tpu.memory_space<vmem_shared>> -> memref<512xi32, #tpu.memory_space<vmem_shared>>
      %dma_wait3A_63 = tpu.memref_slice %arg13[%mul3A_11] : memref<8192xi32, #tpu.memory_space<vmem_shared>> -> memref<512xi32, #tpu.memory_space<vmem_shared>>
      tpu.wait_dma2 semaphore(%run_scoped3A_61 : memref<!tpu.dma_semaphore, #tpu.memory_space<semaphore_mem>>) src(%arg7 : memref<512xi32, #tpu.memory_space<vmem>>) dst(%dma_wait3A_63 : memref<512xi32, #tpu.memory_space<vmem_shared>>)
      tpu.yield
    }) : () -> ()
    "tpu.region"() ({
      %run_scoped3A_61 = tpu.sem_alloc : memref<!tpu.dma_semaphore, #tpu.memory_space<semaphore_mem>>
      tpu.enqueue_dma source(%arg3 : memref<32xf32, #tpu.memory_space<hbm>>) target(%arg11 : memref<32xf32, #tpu.memory_space<vmem>>) target_semaphore(%run_scoped3A_61 : memref<!tpu.dma_semaphore, #tpu.memory_space<semaphore_mem>>)
      tpu.wait_dma2 semaphore(%run_scoped3A_61 : memref<!tpu.dma_semaphore, #tpu.memory_space<semaphore_mem>>) src(%arg3 : memref<32xf32, #tpu.memory_space<hbm>>) dst(%arg11 : memref<32xf32, #tpu.memory_space<vmem>>)
      tpu.yield
    }) : () -> ()
    %barrier3A = arith.constant 0 : index
    tpu.barrier barrier_id(%barrier3A)
    "tpu.region"() ({
      %run_scoped3A_61 = tpu.sem_alloc : memref<!tpu.dma_semaphore, #tpu.memory_space<semaphore_mem>>
      tpu.enqueue_dma source(%arg13 : memref<8192xi32, #tpu.memory_space<vmem_shared>>) target(%arg8 : memref<8192xi32, #tpu.memory_space<vmem>>) target_semaphore(%run_scoped3A_61 : memref<!tpu.dma_semaphore, #tpu.memory_space<semaphore_mem>>)
      tpu.wait_dma2 semaphore(%run_scoped3A_61 : memref<!tpu.dma_semaphore, #tpu.memory_space<semaphore_mem>>) src(%arg13 : memref<8192xi32, #tpu.memory_space<vmem_shared>>) dst(%arg8 : memref<8192xi32, #tpu.memory_space<vmem>>)
      tpu.yield
    }) : () -> ()
    %eq3A = arith.constant 0 : i32
    %eq3A_12 = vector.broadcast %eq3A : i32 to vector<16xi32>
    %eq3A_13 = arith.cmpi eq, %iota3A, %eq3A_12 : vector<16xi32>
    %get3A = arith.constant 0 : index
    %get3A_14 = tpu.vector_load %arg9[%get3A] {strides = array<i32>} : memref<256xi32, #tpu.memory_space<vmem>>, vector<16xi32>,
    %jit3A = arith.constant 0 : i32
    %broadcast_in_dim3A_15 = vector.broadcast %jit3A : i32 to vector<16xi32>
    %select_n3A = arith.select %eq3A_13, %get3A_14, %broadcast_in_dim3A_15 : vector<16xi1>, vector<16xi32>
    %reduce_sum3A = arith.constant true
    %reduce_sum3A_16 = vector.broadcast %reduce_sum3A : i1 to vector<16xi1>
    %reduce_sum3A_17 = tpu.scan <sum>, %select_n3A masked %reduce_sum3A_16 : vector<16xi32>, vector<16xi1> -> vector<16xi32>
    %reduce_sum3A_18 = vector.extract %reduce_sum3A_17[15] : i32 from vector<16xi32>
    %mul3A_19 = arith.constant 16 : i32
    %mul3A_20 = arith.muli %reduce_sum3A_18, %mul3A_19 : i32
    %broadcast_in_dim3A_21 = vector.broadcast %mul3A_20 : i32 to vector<16xi32>
    %scan3A_22 = arith.constant 0 : i32
    %scan3A_23 = arith.constant 0 : i32
    %scan3A_24 = arith.constant 41 : i32
    %scan3A_25 = arith.addi %scan3A_23, %scan3A_24 : i32
    %scan3A_26 = arith.constant 1 : i32
    %scan3A_27 = scf.for %scan3A_61 = %scan3A_23 to %scan3A_25 step %scan3A_26 iter_args(%scan3A_62 = %scan3A_22) -> (i32)  : i32 {
      %mul3A_63 = arith.constant 16 : i32
      %mul3A_64 = arith.muli %scan3A_61, %mul3A_63 : i32
      %swap3A = arith.index_cast %mul3A_64 : i32 to index
      %swap3A_65 = tpu.vector_load %arg10[%swap3A] {strides = array<i32>} : memref<656xi32, #tpu.memory_space<vmem>>, vector<16xi32>,
      tpu.vector_store %arg10[%swap3A], %broadcast_in_dim3A_21 {strides = array<i32>} : memref<656xi32, #tpu.memory_space<vmem>>, vector<16xi32>,
      %scan3A_66 = arith.constant 0 : i32
      scf.yield %scan3A_66 : i32
    }
    %scan3A_28 = arith.constant 41 : i32
    %scan3A_29 = arith.constant 0 : i32
    %scan3A_30 = arith.constant 0 : i32
    %scan3A_31 = arith.constant 16 : i32
    %scan3A_32 = arith.addi %scan3A_30, %scan3A_31 : i32
    %scan3A_33 = arith.constant 1 : i32
    %scan3A_34 = scf.for %scan3A_61 = %scan3A_30 to %scan3A_32 step %scan3A_33 iter_args(%scan3A_62 = %scan3A_29) -> (i32)  : i32 {
      %add3A_63 = arith.constant 0 : i32
      %add3A_64 = arith.addi %add3A_63, %scan3A_61 : i32
      %mul3A_65 = arith.constant 16 : i32
      %mul3A_66 = arith.muli %add3A_64, %mul3A_65 : i32
      %multiple_of3A = tpu.assume_multiple %mul3A_66, 16 : i32
      %add3A_67 = arith.constant 0 : i32
      %add3A_68 = arith.addi %multiple_of3A, %add3A_67 : i32
      %get3A_69 = arith.index_cast %add3A_68 : i32 to index
      %get3A_70 = tpu.vector_load %arg8[%get3A_69] {strides = array<i32>} : memref<8192xi32, #tpu.memory_space<vmem>>, vector<16xi32>,
      %gather3A_71 = tpu.vector_load_idx %arg9[%get3A_70] : memref<256xi32, #tpu.memory_space<vmem>>[vector<16xi32>], vector<16xi32>,
      %add3A_72 = arith.addi %broadcast_in_dim3A_1, %gather3A_71 : vector<16xi32>
      %add3A_73 = arith.constant 256 : i32
      %add3A_74 = arith.addi %multiple_of3A, %add3A_73 : i32
      %get3A_75 = arith.index_cast %add3A_74 : i32 to index
      %get3A_76 = tpu.vector_load %arg8[%get3A_75] {strides = array<i32>} : memref<8192xi32, #tpu.memory_space<vmem>>, vector<16xi32>,
      %gather3A_77 = tpu.vector_load_idx %arg9[%get3A_76] : memref<256xi32, #tpu.memory_space<vmem>>[vector<16xi32>], vector<16xi32>,
      %add3A_78 = arith.addi %add3A_72, %gather3A_77 : vector<16xi32>
      %add3A_79 = arith.constant 512 : i32
      %add3A_80 = arith.addi %multiple_of3A, %add3A_79 : i32
      %get3A_81 = arith.index_cast %add3A_80 : i32 to index
      %get3A_82 = tpu.vector_load %arg8[%get3A_81] {strides = array<i32>} : memref<8192xi32, #tpu.memory_space<vmem>>, vector<16xi32>,
      %gather3A_83 = tpu.vector_load_idx %arg9[%get3A_82] : memref<256xi32, #tpu.memory_space<vmem>>[vector<16xi32>], vector<16xi32>,
      %add3A_84 = arith.addi %add3A_78, %gather3A_83 : vector<16xi32>
      %add3A_85 = arith.constant 768 : i32
      %add3A_86 = arith.addi %multiple_of3A, %add3A_85 : i32
      %get3A_87 = arith.index_cast %add3A_86 : i32 to index
      %get3A_88 = tpu.vector_load %arg8[%get3A_87] {strides = array<i32>} : memref<8192xi32, #tpu.memory_space<vmem>>, vector<16xi32>,
      %gather3A_89 = tpu.vector_load_idx %arg9[%get3A_88] : memref<256xi32, #tpu.memory_space<vmem>>[vector<16xi32>], vector<16xi32>,
      %add3A_90 = arith.addi %add3A_84, %gather3A_89 : vector<16xi32>
      %add3A_91 = arith.constant 1024 : i32
      %add3A_92 = arith.addi %multiple_of3A, %add3A_91 : i32
      %get3A_93 = arith.index_cast %add3A_92 : i32 to index
      %get3A_94 = tpu.vector_load %arg8[%get3A_93] {strides = array<i32>} : memref<8192xi32, #tpu.memory_space<vmem>>, vector<16xi32>,
      %gather3A_95 = tpu.vector_load_idx %arg9[%get3A_94] : memref<256xi32, #tpu.memory_space<vmem>>[vector<16xi32>], vector<16xi32>,
      %add3A_96 = arith.addi %add3A_90, %gather3A_95 : vector<16xi32>
      %add3A_97 = arith.constant 1280 : i32
      %add3A_98 = arith.addi %multiple_of3A, %add3A_97 : i32
      %get3A_99 = arith.index_cast %add3A_98 : i32 to index
      %get3A_100 = tpu.vector_load %arg8[%get3A_99] {strides = array<i32>} : memref<8192xi32, #tpu.memory_space<vmem>>, vector<16xi32>,
      %gather3A_101 = tpu.vector_load_idx %arg9[%get3A_100] : memref<256xi32, #tpu.memory_space<vmem>>[vector<16xi32>], vector<16xi32>,
      %add3A_102 = arith.addi %add3A_96, %gather3A_101 : vector<16xi32>
      %add3A_103 = arith.constant 1536 : i32
      %add3A_104 = arith.addi %multiple_of3A, %add3A_103 : i32
      %get3A_105 = arith.index_cast %add3A_104 : i32 to index
      %get3A_106 = tpu.vector_load %arg8[%get3A_105] {strides = array<i32>} : memref<8192xi32, #tpu.memory_space<vmem>>, vector<16xi32>,
      %gather3A_107 = tpu.vector_load_idx %arg9[%get3A_106] : memref<256xi32, #tpu.memory_space<vmem>>[vector<16xi32>], vector<16xi32>,
      %add3A_108 = arith.addi %add3A_102, %gather3A_107 : vector<16xi32>
      %add3A_109 = arith.constant 1792 : i32
      %add3A_110 = arith.addi %multiple_of3A, %add3A_109 : i32
      %get3A_111 = arith.index_cast %add3A_110 : i32 to index
      %get3A_112 = tpu.vector_load %arg8[%get3A_111] {strides = array<i32>} : memref<8192xi32, #tpu.memory_space<vmem>>, vector<16xi32>,
      %gather3A_113 = tpu.vector_load_idx %arg9[%get3A_112] : memref<256xi32, #tpu.memory_space<vmem>>[vector<16xi32>], vector<16xi32>,
      %add3A_114 = arith.addi %add3A_108, %gather3A_113 : vector<16xi32>
      %add3A_115 = arith.constant 2048 : i32
      %add3A_116 = arith.addi %multiple_of3A, %add3A_115 : i32
      %get3A_117 = arith.index_cast %add3A_116 : i32 to index
      %get3A_118 = tpu.vector_load %arg8[%get3A_117] {strides = array<i32>} : memref<8192xi32, #tpu.memory_space<vmem>>, vector<16xi32>,
      %gather3A_119 = tpu.vector_load_idx %arg9[%get3A_118] : memref<256xi32, #tpu.memory_space<vmem>>[vector<16xi32>], vector<16xi32>,
      %add3A_120 = arith.addi %add3A_114, %gather3A_119 : vector<16xi32>
      %add3A_121 = arith.constant 2304 : i32
      %add3A_122 = arith.addi %multiple_of3A, %add3A_121 : i32
      %get3A_123 = arith.index_cast %add3A_122 : i32 to index
      %get3A_124 = tpu.vector_load %arg8[%get3A_123] {strides = array<i32>} : memref<8192xi32, #tpu.memory_space<vmem>>, vector<16xi32>,
      %gather3A_125 = tpu.vector_load_idx %arg9[%get3A_124] : memref<256xi32, #tpu.memory_space<vmem>>[vector<16xi32>], vector<16xi32>,
      %add3A_126 = arith.addi %add3A_120, %gather3A_125 : vector<16xi32>
      %add3A_127 = arith.constant 2560 : i32
      %add3A_128 = arith.addi %multiple_of3A, %add3A_127 : i32
      %get3A_129 = arith.index_cast %add3A_128 : i32 to index
      %get3A_130 = tpu.vector_load %arg8[%get3A_129] {strides = array<i32>} : memref<8192xi32, #tpu.memory_space<vmem>>, vector<16xi32>,
      %gather3A_131 = tpu.vector_load_idx %arg9[%get3A_130] : memref<256xi32, #tpu.memory_space<vmem>>[vector<16xi32>], vector<16xi32>,
      %add3A_132 = arith.addi %add3A_126, %gather3A_131 : vector<16xi32>
      %add3A_133 = arith.constant 2816 : i32
      %add3A_134 = arith.addi %multiple_of3A, %add3A_133 : i32
      %get3A_135 = arith.index_cast %add3A_134 : i32 to index
      %get3A_136 = tpu.vector_load %arg8[%get3A_135] {strides = array<i32>} : memref<8192xi32, #tpu.memory_space<vmem>>, vector<16xi32>,
      %gather3A_137 = tpu.vector_load_idx %arg9[%get3A_136] : memref<256xi32, #tpu.memory_space<vmem>>[vector<16xi32>], vector<16xi32>,
      %add3A_138 = arith.addi %add3A_132, %gather3A_137 : vector<16xi32>
      %add3A_139 = arith.constant 3072 : i32
      %add3A_140 = arith.addi %multiple_of3A, %add3A_139 : i32
      %get3A_141 = arith.index_cast %add3A_140 : i32 to index
      %get3A_142 = tpu.vector_load %arg8[%get3A_141] {strides = array<i32>} : memref<8192xi32, #tpu.memory_space<vmem>>, vector<16xi32>,
      %gather3A_143 = tpu.vector_load_idx %arg9[%get3A_142] : memref<256xi32, #tpu.memory_space<vmem>>[vector<16xi32>], vector<16xi32>,
      %add3A_144 = arith.addi %add3A_138, %gather3A_143 : vector<16xi32>
      %add3A_145 = arith.constant 3328 : i32
      %add3A_146 = arith.addi %multiple_of3A, %add3A_145 : i32
      %get3A_147 = arith.index_cast %add3A_146 : i32 to index
      %get3A_148 = tpu.vector_load %arg8[%get3A_147] {strides = array<i32>} : memref<8192xi32, #tpu.memory_space<vmem>>, vector<16xi32>,
      %gather3A_149 = tpu.vector_load_idx %arg9[%get3A_148] : memref<256xi32, #tpu.memory_space<vmem>>[vector<16xi32>], vector<16xi32>,
      %add3A_150 = arith.addi %add3A_144, %gather3A_149 : vector<16xi32>
      %add3A_151 = arith.constant 3584 : i32
      %add3A_152 = arith.addi %multiple_of3A, %add3A_151 : i32
      %get3A_153 = arith.index_cast %add3A_152 : i32 to index
      %get3A_154 = tpu.vector_load %arg8[%get3A_153] {strides = array<i32>} : memref<8192xi32, #tpu.memory_space<vmem>>, vector<16xi32>,
      %gather3A_155 = tpu.vector_load_idx %arg9[%get3A_154] : memref<256xi32, #tpu.memory_space<vmem>>[vector<16xi32>], vector<16xi32>,
      %add3A_156 = arith.addi %add3A_150, %gather3A_155 : vector<16xi32>
      %add3A_157 = arith.constant 3840 : i32
      %add3A_158 = arith.addi %multiple_of3A, %add3A_157 : i32
      %get3A_159 = arith.index_cast %add3A_158 : i32 to index
      %get3A_160 = tpu.vector_load %arg8[%get3A_159] {strides = array<i32>} : memref<8192xi32, #tpu.memory_space<vmem>>, vector<16xi32>,
      %gather3A_161 = tpu.vector_load_idx %arg9[%get3A_160] : memref<256xi32, #tpu.memory_space<vmem>>[vector<16xi32>], vector<16xi32>,
      %add3A_162 = arith.addi %add3A_156, %gather3A_161 : vector<16xi32>
      %add3A_163 = arith.constant 0 : i32
      %add3A_164 = arith.addi %add3A_163, %scan3A_61 : i32
      %add3A_165 = arith.constant 1 : i32
      %add3A_166 = arith.addi %add3A_164, %add3A_165 : i32
      %mul3A_167 = arith.constant 18 : i32
      %mul3A_168 = arith.muli %add3A_166, %mul3A_167 : i32
      %add3A_169 = arith.constant 1 : i32
      %add3A_170 = arith.addi %mul3A_168, %add3A_169 : i32
      %add3A_171 = vector.broadcast %add3A_170 : i32 to vector<16xi32>
      %add3A_172 = arith.addi %add3A_171, %iota3A : vector<16xi32>
      tpu.vector_store_idx %arg10[%add3A_172], %add3A_162 : memref<656xi32, #tpu.memory_space<vmem>>[vector<16xi32>], vector<16xi32>,
      %scan3A_173 = arith.constant 0 : i32
      scf.yield %scan3A_173 : i32
    }
    %scan3A_35 = arith.constant 16 : i32
    %scan3A_36 = arith.constant 0 : i32
    %scan3A_37 = arith.constant 0 : i32
    %scan3A_38 = arith.constant 16 : i32
    %scan3A_39 = arith.addi %scan3A_37, %scan3A_38 : i32
    %scan3A_40 = arith.constant 1 : i32
    %scan3A_41 = scf.for %scan3A_61 = %scan3A_37 to %scan3A_39 step %scan3A_40 iter_args(%scan3A_62 = %scan3A_36) -> (i32)  : i32 {
      %add3A_63 = arith.constant 256 : i32
      %add3A_64 = arith.addi %add3A_63, %scan3A_61 : i32
      %mul3A_65 = arith.constant 16 : i32
      %mul3A_66 = arith.muli %add3A_64, %mul3A_65 : i32
      %multiple_of3A = tpu.assume_multiple %mul3A_66, 16 : i32
      %add3A_67 = arith.constant 0 : i32
      %add3A_68 = arith.addi %multiple_of3A, %add3A_67 : i32
      %get3A_69 = arith.index_cast %add3A_68 : i32 to index
      %get3A_70 = tpu.vector_load %arg8[%get3A_69] {strides = array<i32>} : memref<8192xi32, #tpu.memory_space<vmem>>, vector<16xi32>,
      %gather3A_71 = tpu.vector_load_idx %arg9[%get3A_70] : memref<256xi32, #tpu.memory_space<vmem>>[vector<16xi32>], vector<16xi32>,
      %add3A_72 = arith.addi %broadcast_in_dim3A_1, %gather3A_71 : vector<16xi32>
      %add3A_73 = arith.constant 256 : i32
      %add3A_74 = arith.addi %multiple_of3A, %add3A_73 : i32
      %get3A_75 = arith.index_cast %add3A_74 : i32 to index
      %get3A_76 = tpu.vector_load %arg8[%get3A_75] {strides = array<i32>} : memref<8192xi32, #tpu.memory_space<vmem>>, vector<16xi32>,
      %gather3A_77 = tpu.vector_load_idx %arg9[%get3A_76] : memref<256xi32, #tpu.memory_space<vmem>>[vector<16xi32>], vector<16xi32>,
      %add3A_78 = arith.addi %add3A_72, %gather3A_77 : vector<16xi32>
      %add3A_79 = arith.constant 512 : i32
      %add3A_80 = arith.addi %multiple_of3A, %add3A_79 : i32
      %get3A_81 = arith.index_cast %add3A_80 : i32 to index
      %get3A_82 = tpu.vector_load %arg8[%get3A_81] {strides = array<i32>} : memref<8192xi32, #tpu.memory_space<vmem>>, vector<16xi32>,
      %gather3A_83 = tpu.vector_load_idx %arg9[%get3A_82] : memref<256xi32, #tpu.memory_space<vmem>>[vector<16xi32>], vector<16xi32>,
      %add3A_84 = arith.addi %add3A_78, %gather3A_83 : vector<16xi32>
      %add3A_85 = arith.constant 768 : i32
      %add3A_86 = arith.addi %multiple_of3A, %add3A_85 : i32
      %get3A_87 = arith.index_cast %add3A_86 : i32 to index
      %get3A_88 = tpu.vector_load %arg8[%get3A_87] {strides = array<i32>} : memref<8192xi32, #tpu.memory_space<vmem>>, vector<16xi32>,
      %gather3A_89 = tpu.vector_load_idx %arg9[%get3A_88] : memref<256xi32, #tpu.memory_space<vmem>>[vector<16xi32>], vector<16xi32>,
      %add3A_90 = arith.addi %add3A_84, %gather3A_89 : vector<16xi32>
      %add3A_91 = arith.constant 1024 : i32
      %add3A_92 = arith.addi %multiple_of3A, %add3A_91 : i32
      %get3A_93 = arith.index_cast %add3A_92 : i32 to index
      %get3A_94 = tpu.vector_load %arg8[%get3A_93] {strides = array<i32>} : memref<8192xi32, #tpu.memory_space<vmem>>, vector<16xi32>,
      %gather3A_95 = tpu.vector_load_idx %arg9[%get3A_94] : memref<256xi32, #tpu.memory_space<vmem>>[vector<16xi32>], vector<16xi32>,
      %add3A_96 = arith.addi %add3A_90, %gather3A_95 : vector<16xi32>
      %add3A_97 = arith.constant 1280 : i32
      %add3A_98 = arith.addi %multiple_of3A, %add3A_97 : i32
      %get3A_99 = arith.index_cast %add3A_98 : i32 to index
      %get3A_100 = tpu.vector_load %arg8[%get3A_99] {strides = array<i32>} : memref<8192xi32, #tpu.memory_space<vmem>>, vector<16xi32>,
      %gather3A_101 = tpu.vector_load_idx %arg9[%get3A_100] : memref<256xi32, #tpu.memory_space<vmem>>[vector<16xi32>], vector<16xi32>,
      %add3A_102 = arith.addi %add3A_96, %gather3A_101 : vector<16xi32>
      %add3A_103 = arith.constant 1536 : i32
      %add3A_104 = arith.addi %multiple_of3A, %add3A_103 : i32
      %get3A_105 = arith.index_cast %add3A_104 : i32 to index
      %get3A_106 = tpu.vector_load %arg8[%get3A_105] {strides = array<i32>} : memref<8192xi32, #tpu.memory_space<vmem>>, vector<16xi32>,
      %gather3A_107 = tpu.vector_load_idx %arg9[%get3A_106] : memref<256xi32, #tpu.memory_space<vmem>>[vector<16xi32>], vector<16xi32>,
      %add3A_108 = arith.addi %add3A_102, %gather3A_107 : vector<16xi32>
      %add3A_109 = arith.constant 1792 : i32
      %add3A_110 = arith.addi %multiple_of3A, %add3A_109 : i32
      %get3A_111 = arith.index_cast %add3A_110 : i32 to index
      %get3A_112 = tpu.vector_load %arg8[%get3A_111] {strides = array<i32>} : memref<8192xi32, #tpu.memory_space<vmem>>, vector<16xi32>,
      %gather3A_113 = tpu.vector_load_idx %arg9[%get3A_112] : memref<256xi32, #tpu.memory_space<vmem>>[vector<16xi32>], vector<16xi32>,
      %add3A_114 = arith.addi %add3A_108, %gather3A_113 : vector<16xi32>
      %add3A_115 = arith.constant 2048 : i32
      %add3A_116 = arith.addi %multiple_of3A, %add3A_115 : i32
      %get3A_117 = arith.index_cast %add3A_116 : i32 to index
      %get3A_118 = tpu.vector_load %arg8[%get3A_117] {strides = array<i32>} : memref<8192xi32, #tpu.memory_space<vmem>>, vector<16xi32>,
      %gather3A_119 = tpu.vector_load_idx %arg9[%get3A_118] : memref<256xi32, #tpu.memory_space<vmem>>[vector<16xi32>], vector<16xi32>,
      %add3A_120 = arith.addi %add3A_114, %gather3A_119 : vector<16xi32>
      %add3A_121 = arith.constant 2304 : i32
      %add3A_122 = arith.addi %multiple_of3A, %add3A_121 : i32
      %get3A_123 = arith.index_cast %add3A_122 : i32 to index
      %get3A_124 = tpu.vector_load %arg8[%get3A_123] {strides = array<i32>} : memref<8192xi32, #tpu.memory_space<vmem>>, vector<16xi32>,
      %gather3A_125 = tpu.vector_load_idx %arg9[%get3A_124] : memref<256xi32, #tpu.memory_space<vmem>>[vector<16xi32>], vector<16xi32>,
      %add3A_126 = arith.addi %add3A_120, %gather3A_125 : vector<16xi32>
      %add3A_127 = arith.constant 2560 : i32
      %add3A_128 = arith.addi %multiple_of3A, %add3A_127 : i32
      %get3A_129 = arith.index_cast %add3A_128 : i32 to index
      %get3A_130 = tpu.vector_load %arg8[%get3A_129] {strides = array<i32>} : memref<8192xi32, #tpu.memory_space<vmem>>, vector<16xi32>,
      %gather3A_131 = tpu.vector_load_idx %arg9[%get3A_130] : memref<256xi32, #tpu.memory_space<vmem>>[vector<16xi32>], vector<16xi32>,
      %add3A_132 = arith.addi %add3A_126, %gather3A_131 : vector<16xi32>
      %add3A_133 = arith.constant 2816 : i32
      %add3A_134 = arith.addi %multiple_of3A, %add3A_133 : i32
      %get3A_135 = arith.index_cast %add3A_134 : i32 to index
      %get3A_136 = tpu.vector_load %arg8[%get3A_135] {strides = array<i32>} : memref<8192xi32, #tpu.memory_space<vmem>>, vector<16xi32>,
      %gather3A_137 = tpu.vector_load_idx %arg9[%get3A_136] : memref<256xi32, #tpu.memory_space<vmem>>[vector<16xi32>], vector<16xi32>,
      %add3A_138 = arith.addi %add3A_132, %gather3A_137 : vector<16xi32>
      %add3A_139 = arith.constant 3072 : i32
      %add3A_140 = arith.addi %multiple_of3A, %add3A_139 : i32
      %get3A_141 = arith.index_cast %add3A_140 : i32 to index
      %get3A_142 = tpu.vector_load %arg8[%get3A_141] {strides = array<i32>} : memref<8192xi32, #tpu.memory_space<vmem>>, vector<16xi32>,
      %gather3A_143 = tpu.vector_load_idx %arg9[%get3A_142] : memref<256xi32, #tpu.memory_space<vmem>>[vector<16xi32>], vector<16xi32>,
      %add3A_144 = arith.addi %add3A_138, %gather3A_143 : vector<16xi32>
      %add3A_145 = arith.constant 3328 : i32
      %add3A_146 = arith.addi %multiple_of3A, %add3A_145 : i32
      %get3A_147 = arith.index_cast %add3A_146 : i32 to index
      %get3A_148 = tpu.vector_load %arg8[%get3A_147] {strides = array<i32>} : memref<8192xi32, #tpu.memory_space<vmem>>, vector<16xi32>,
      %gather3A_149 = tpu.vector_load_idx %arg9[%get3A_148] : memref<256xi32, #tpu.memory_space<vmem>>[vector<16xi32>], vector<16xi32>,
      %add3A_150 = arith.addi %add3A_144, %gather3A_149 : vector<16xi32>
      %add3A_151 = arith.constant 3584 : i32
      %add3A_152 = arith.addi %multiple_of3A, %add3A_151 : i32
      %get3A_153 = arith.index_cast %add3A_152 : i32 to index
      %get3A_154 = tpu.vector_load %arg8[%get3A_153] {strides = array<i32>} : memref<8192xi32, #tpu.memory_space<vmem>>, vector<16xi32>,
      %gather3A_155 = tpu.vector_load_idx %arg9[%get3A_154] : memref<256xi32, #tpu.memory_space<vmem>>[vector<16xi32>], vector<16xi32>,
      %add3A_156 = arith.addi %add3A_150, %gather3A_155 : vector<16xi32>
      %add3A_157 = arith.constant 3840 : i32
      %add3A_158 = arith.addi %multiple_of3A, %add3A_157 : i32
      %get3A_159 = arith.index_cast %add3A_158 : i32 to index
      %get3A_160 = tpu.vector_load %arg8[%get3A_159] {strides = array<i32>} : memref<8192xi32, #tpu.memory_space<vmem>>, vector<16xi32>,
      %gather3A_161 = tpu.vector_load_idx %arg9[%get3A_160] : memref<256xi32, #tpu.memory_space<vmem>>[vector<16xi32>], vector<16xi32>,
      %add3A_162 = arith.addi %add3A_156, %gather3A_161 : vector<16xi32>
      %add3A_163 = arith.constant 18 : i32
      %add3A_164 = arith.addi %add3A_163, %scan3A_61 : i32
      %add3A_165 = arith.constant 1 : i32
      %add3A_166 = arith.addi %add3A_164, %add3A_165 : i32
      %mul3A_167 = arith.constant 18 : i32
      %mul3A_168 = arith.muli %add3A_166, %mul3A_167 : i32
      %add3A_169 = arith.constant 1 : i32
      %add3A_170 = arith.addi %mul3A_168, %add3A_169 : i32
      %add3A_171 = vector.broadcast %add3A_170 : i32 to vector<16xi32>
      %add3A_172 = arith.addi %add3A_171, %iota3A : vector<16xi32>
      tpu.vector_store_idx %arg10[%add3A_172], %add3A_162 : memref<656xi32, #tpu.memory_space<vmem>>[vector<16xi32>], vector<16xi32>,
      %scan3A_173 = arith.constant 0 : i32
      scf.yield %scan3A_173 : i32
    }
    %scan3A_42 = arith.constant 16 : i32
    %broadcast_in_dim3A_43 = vector.broadcast %add3A : i32 to vector<16xi32>
    %gather3A = tpu.vector_load_idx %arg11[%broadcast_in_dim3A_43] : memref<32xf32, #tpu.memory_space<vmem>>[vector<16xi32>], vector<16xf32>,
    %scan3A_44 = arith.constant 0 : i32
    %scan3A_45 = arith.constant 0 : i32
    %scan3A_46 = arith.constant 16 : i32
    %scan3A_47 = arith.addi %scan3A_45, %scan3A_46 : i32
    %scan3A_48 = arith.constant 1 : i32
    %scan3A_49 = scf.for %scan3A_61 = %scan3A_45 to %scan3A_47 step %scan3A_48 iter_args(%scan3A_62 = %scan3A_44) -> (i32)  : i32 {
      %add3A_63 = arith.constant 0 : i32
      %add3A_64 = arith.addi %add3A_63, %scan3A_61 : i32
      %add3A_65 = arith.constant 0 : i32
      %add3A_66 = arith.addi %add3A_64, %add3A_65 : i32
      %mul3A_67 = arith.constant 18 : i32
      %mul3A_68 = arith.muli %add3A_66, %mul3A_67 : i32
      %add3A_69 = arith.constant 0 : i32
      %add3A_70 = arith.addi %mul3A_68, %add3A_69 : i32
      %add3A_71 = vector.broadcast %add3A_70 : i32 to vector<16xi32>
      %add3A_72 = arith.addi %add3A_71, %iota3A : vector<16xi32>
      %gather3A_73 = tpu.vector_load_idx %arg10[%add3A_72] : memref<656xi32, #tpu.memory_space<vmem>>[vector<16xi32>], vector<16xi32>,
      %add3A_74 = arith.addi %broadcast_in_dim3A_1, %gather3A_73 : vector<16xi32>
      %add3A_75 = arith.constant 0 : i32
      %add3A_76 = arith.addi %add3A_75, %scan3A_61 : i32
      %add3A_77 = arith.constant 0 : i32
      %add3A_78 = arith.addi %add3A_76, %add3A_77 : i32
      %mul3A_79 = arith.constant 18 : i32
      %mul3A_80 = arith.muli %add3A_78, %mul3A_79 : i32
      %add3A_81 = arith.constant 1 : i32
      %add3A_82 = arith.addi %mul3A_80, %add3A_81 : i32
      %add3A_83 = vector.broadcast %add3A_82 : i32 to vector<16xi32>
      %add3A_84 = arith.addi %add3A_83, %iota3A : vector<16xi32>
      %gather3A_85 = tpu.vector_load_idx %arg10[%add3A_84] : memref<656xi32, #tpu.memory_space<vmem>>[vector<16xi32>], vector<16xi32>,
      %add3A_86 = arith.addi %add3A_74, %gather3A_85 : vector<16xi32>
      %add3A_87 = arith.constant 0 : i32
      %add3A_88 = arith.addi %add3A_87, %scan3A_61 : i32
      %add3A_89 = arith.constant 0 : i32
      %add3A_90 = arith.addi %add3A_88, %add3A_89 : i32
      %mul3A_91 = arith.constant 18 : i32
      %mul3A_92 = arith.muli %add3A_90, %mul3A_91 : i32
      %add3A_93 = arith.constant 2 : i32
      %add3A_94 = arith.addi %mul3A_92, %add3A_93 : i32
      %add3A_95 = vector.broadcast %add3A_94 : i32 to vector<16xi32>
      %add3A_96 = arith.addi %add3A_95, %iota3A : vector<16xi32>
      %gather3A_97 = tpu.vector_load_idx %arg10[%add3A_96] : memref<656xi32, #tpu.memory_space<vmem>>[vector<16xi32>], vector<16xi32>,
      %add3A_98 = arith.addi %add3A_86, %gather3A_97 : vector<16xi32>
      %add3A_99 = arith.constant 0 : i32
      %add3A_100 = arith.addi %add3A_99, %scan3A_61 : i32
      %add3A_101 = arith.constant 1 : i32
      %add3A_102 = arith.addi %add3A_100, %add3A_101 : i32
      %mul3A_103 = arith.constant 18 : i32
      %mul3A_104 = arith.muli %add3A_102, %mul3A_103 : i32
      %add3A_105 = arith.constant 0 : i32
      %add3A_106 = arith.addi %mul3A_104, %add3A_105 : i32
      %add3A_107 = vector.broadcast %add3A_106 : i32 to vector<16xi32>
      %add3A_108 = arith.addi %add3A_107, %iota3A : vector<16xi32>
      %gather3A_109 = tpu.vector_load_idx %arg10[%add3A_108] : memref<656xi32, #tpu.memory_space<vmem>>[vector<16xi32>], vector<16xi32>,
      %add3A_110 = arith.addi %add3A_98, %gather3A_109 : vector<16xi32>
      %add3A_111 = arith.constant 0 : i32
      %add3A_112 = arith.addi %add3A_111, %scan3A_61 : i32
      %add3A_113 = arith.constant 1 : i32
      %add3A_114 = arith.addi %add3A_112, %add3A_113 : i32
      %mul3A_115 = arith.constant 18 : i32
      %mul3A_116 = arith.muli %add3A_114, %mul3A_115 : i32
      %add3A_117 = arith.constant 1 : i32
      %add3A_118 = arith.addi %mul3A_116, %add3A_117 : i32
      %add3A_119 = vector.broadcast %add3A_118 : i32 to vector<16xi32>
      %add3A_120 = arith.addi %add3A_119, %iota3A : vector<16xi32>
      %gather3A_121 = tpu.vector_load_idx %arg10[%add3A_120] : memref<656xi32, #tpu.memory_space<vmem>>[vector<16xi32>], vector<16xi32>,
      %add3A_122 = arith.addi %add3A_110, %gather3A_121 : vector<16xi32>
      %add3A_123 = arith.constant 0 : i32
      %add3A_124 = arith.addi %add3A_123, %scan3A_61 : i32
      %add3A_125 = arith.constant 1 : i32
      %add3A_126 = arith.addi %add3A_124, %add3A_125 : i32
      %mul3A_127 = arith.constant 18 : i32
      %mul3A_128 = arith.muli %add3A_126, %mul3A_127 : i32
      %add3A_129 = arith.constant 2 : i32
      %add3A_130 = arith.addi %mul3A_128, %add3A_129 : i32
      %add3A_131 = vector.broadcast %add3A_130 : i32 to vector<16xi32>
      %add3A_132 = arith.addi %add3A_131, %iota3A : vector<16xi32>
      %gather3A_133 = tpu.vector_load_idx %arg10[%add3A_132] : memref<656xi32, #tpu.memory_space<vmem>>[vector<16xi32>], vector<16xi32>,
      %add3A_134 = arith.addi %add3A_122, %gather3A_133 : vector<16xi32>
      %add3A_135 = arith.constant 0 : i32
      %add3A_136 = arith.addi %add3A_135, %scan3A_61 : i32
      %add3A_137 = arith.constant 2 : i32
      %add3A_138 = arith.addi %add3A_136, %add3A_137 : i32
      %mul3A_139 = arith.constant 18 : i32
      %mul3A_140 = arith.muli %add3A_138, %mul3A_139 : i32
      %add3A_141 = arith.constant 0 : i32
      %add3A_142 = arith.addi %mul3A_140, %add3A_141 : i32
      %add3A_143 = vector.broadcast %add3A_142 : i32 to vector<16xi32>
      %add3A_144 = arith.addi %add3A_143, %iota3A : vector<16xi32>
      %gather3A_145 = tpu.vector_load_idx %arg10[%add3A_144] : memref<656xi32, #tpu.memory_space<vmem>>[vector<16xi32>], vector<16xi32>,
      %add3A_146 = arith.addi %add3A_134, %gather3A_145 : vector<16xi32>
      %add3A_147 = arith.constant 0 : i32
      %add3A_148 = arith.addi %add3A_147, %scan3A_61 : i32
      %add3A_149 = arith.constant 2 : i32
      %add3A_150 = arith.addi %add3A_148, %add3A_149 : i32
      %mul3A_151 = arith.constant 18 : i32
      %mul3A_152 = arith.muli %add3A_150, %mul3A_151 : i32
      %add3A_153 = arith.constant 1 : i32
      %add3A_154 = arith.addi %mul3A_152, %add3A_153 : i32
      %add3A_155 = vector.broadcast %add3A_154 : i32 to vector<16xi32>
      %add3A_156 = arith.addi %add3A_155, %iota3A : vector<16xi32>
      %gather3A_157 = tpu.vector_load_idx %arg10[%add3A_156] : memref<656xi32, #tpu.memory_space<vmem>>[vector<16xi32>], vector<16xi32>,
      %add3A_158 = arith.addi %add3A_146, %gather3A_157 : vector<16xi32>
      %add3A_159 = arith.constant 0 : i32
      %add3A_160 = arith.addi %add3A_159, %scan3A_61 : i32
      %add3A_161 = arith.constant 2 : i32
      %add3A_162 = arith.addi %add3A_160, %add3A_161 : i32
      %mul3A_163 = arith.constant 18 : i32
      %mul3A_164 = arith.muli %add3A_162, %mul3A_163 : i32
      %add3A_165 = arith.constant 2 : i32
      %add3A_166 = arith.addi %mul3A_164, %add3A_165 : i32
      %add3A_167 = vector.broadcast %add3A_166 : i32 to vector<16xi32>
      %add3A_168 = arith.addi %add3A_167, %iota3A : vector<16xi32>
      %gather3A_169 = tpu.vector_load_idx %arg10[%add3A_168] : memref<656xi32, #tpu.memory_space<vmem>>[vector<16xi32>], vector<16xi32>,
      %add3A_170 = arith.addi %add3A_158, %gather3A_169 : vector<16xi32>
      %convert_element_type3A = arith.sitofp %add3A_170 : vector<16xi32> to vector<16xf32>
      %add3A_171 = arith.addf %convert_element_type3A, %gather3A : vector<16xf32>
      %swap3A = arith.constant 0 : i32
      %swap3A_172 = arith.index_cast %swap3A : i32 to index
      %swap3A_173 = arith.index_cast %scan3A_61 : i32 to index
      %swap3A_174 = arith.constant 0 : index
      %swap3A_175 = tpu.vector_load %arg12[%swap3A_172, %swap3A_173, %swap3A_174] {strides = array<i32>} : memref<2x16x16xf32, #tpu.memory_space<vmem>>, vector<16xf32>,
      tpu.vector_store %arg12[%swap3A_172, %swap3A_173, %swap3A_174], %add3A_171 {strides = array<i32>} : memref<2x16x16xf32, #tpu.memory_space<vmem>>, vector<16xf32>,
      %scan3A_176 = arith.constant 0 : i32
      scf.yield %scan3A_176 : i32
    }
    %scan3A_50 = arith.constant 16 : i32
    %scan3A_51 = arith.constant 0 : i32
    %scan3A_52 = arith.constant 0 : i32
    %scan3A_53 = arith.constant 16 : i32
    %scan3A_54 = arith.addi %scan3A_52, %scan3A_53 : i32
    %scan3A_55 = arith.constant 1 : i32
    %scan3A_56 = scf.for %scan3A_61 = %scan3A_52 to %scan3A_54 step %scan3A_55 iter_args(%scan3A_62 = %scan3A_51) -> (i32)  : i32 {
      %add3A_63 = arith.constant 18 : i32
      %add3A_64 = arith.addi %add3A_63, %scan3A_61 : i32
      %add3A_65 = arith.constant 0 : i32
      %add3A_66 = arith.addi %add3A_64, %add3A_65 : i32
      %mul3A_67 = arith.constant 18 : i32
      %mul3A_68 = arith.muli %add3A_66, %mul3A_67 : i32
      %add3A_69 = arith.constant 0 : i32
      %add3A_70 = arith.addi %mul3A_68, %add3A_69 : i32
      %add3A_71 = vector.broadcast %add3A_70 : i32 to vector<16xi32>
      %add3A_72 = arith.addi %add3A_71, %iota3A : vector<16xi32>
      %gather3A_73 = tpu.vector_load_idx %arg10[%add3A_72] : memref<656xi32, #tpu.memory_space<vmem>>[vector<16xi32>], vector<16xi32>,
      %add3A_74 = arith.addi %broadcast_in_dim3A_1, %gather3A_73 : vector<16xi32>
      %add3A_75 = arith.constant 18 : i32
      %add3A_76 = arith.addi %add3A_75, %scan3A_61 : i32
      %add3A_77 = arith.constant 0 : i32
      %add3A_78 = arith.addi %add3A_76, %add3A_77 : i32
      %mul3A_79 = arith.constant 18 : i32
      %mul3A_80 = arith.muli %add3A_78, %mul3A_79 : i32
      %add3A_81 = arith.constant 1 : i32
      %add3A_82 = arith.addi %mul3A_80, %add3A_81 : i32
      %add3A_83 = vector.broadcast %add3A_82 : i32 to vector<16xi32>
      %add3A_84 = arith.addi %add3A_83, %iota3A : vector<16xi32>
      %gather3A_85 = tpu.vector_load_idx %arg10[%add3A_84] : memref<656xi32, #tpu.memory_space<vmem>>[vector<16xi32>], vector<16xi32>,
      %add3A_86 = arith.addi %add3A_74, %gather3A_85 : vector<16xi32>
      %add3A_87 = arith.constant 18 : i32
      %add3A_88 = arith.addi %add3A_87, %scan3A_61 : i32
      %add3A_89 = arith.constant 0 : i32
      %add3A_90 = arith.addi %add3A_88, %add3A_89 : i32
      %mul3A_91 = arith.constant 18 : i32
      %mul3A_92 = arith.muli %add3A_90, %mul3A_91 : i32
      %add3A_93 = arith.constant 2 : i32
      %add3A_94 = arith.addi %mul3A_92, %add3A_93 : i32
      %add3A_95 = vector.broadcast %add3A_94 : i32 to vector<16xi32>
      %add3A_96 = arith.addi %add3A_95, %iota3A : vector<16xi32>
      %gather3A_97 = tpu.vector_load_idx %arg10[%add3A_96] : memref<656xi32, #tpu.memory_space<vmem>>[vector<16xi32>], vector<16xi32>,
      %add3A_98 = arith.addi %add3A_86, %gather3A_97 : vector<16xi32>
      %add3A_99 = arith.constant 18 : i32
      %add3A_100 = arith.addi %add3A_99, %scan3A_61 : i32
      %add3A_101 = arith.constant 1 : i32
      %add3A_102 = arith.addi %add3A_100, %add3A_101 : i32
      %mul3A_103 = arith.constant 18 : i32
      %mul3A_104 = arith.muli %add3A_102, %mul3A_103 : i32
      %add3A_105 = arith.constant 0 : i32
      %add3A_106 = arith.addi %mul3A_104, %add3A_105 : i32
      %add3A_107 = vector.broadcast %add3A_106 : i32 to vector<16xi32>
      %add3A_108 = arith.addi %add3A_107, %iota3A : vector<16xi32>
      %gather3A_109 = tpu.vector_load_idx %arg10[%add3A_108] : memref<656xi32, #tpu.memory_space<vmem>>[vector<16xi32>], vector<16xi32>,
      %add3A_110 = arith.addi %add3A_98, %gather3A_109 : vector<16xi32>
      %add3A_111 = arith.constant 18 : i32
      %add3A_112 = arith.addi %add3A_111, %scan3A_61 : i32
      %add3A_113 = arith.constant 1 : i32
      %add3A_114 = arith.addi %add3A_112, %add3A_113 : i32
      %mul3A_115 = arith.constant 18 : i32
      %mul3A_116 = arith.muli %add3A_114, %mul3A_115 : i32
      %add3A_117 = arith.constant 1 : i32
      %add3A_118 = arith.addi %mul3A_116, %add3A_117 : i32
      %add3A_119 = vector.broadcast %add3A_118 : i32 to vector<16xi32>
      %add3A_120 = arith.addi %add3A_119, %iota3A : vector<16xi32>
      %gather3A_121 = tpu.vector_load_idx %arg10[%add3A_120] : memref<656xi32, #tpu.memory_space<vmem>>[vector<16xi32>], vector<16xi32>,
      %add3A_122 = arith.addi %add3A_110, %gather3A_121 : vector<16xi32>
      %add3A_123 = arith.constant 18 : i32
      %add3A_124 = arith.addi %add3A_123, %scan3A_61 : i32
      %add3A_125 = arith.constant 1 : i32
      %add3A_126 = arith.addi %add3A_124, %add3A_125 : i32
      %mul3A_127 = arith.constant 18 : i32
      %mul3A_128 = arith.muli %add3A_126, %mul3A_127 : i32
      %add3A_129 = arith.constant 2 : i32
      %add3A_130 = arith.addi %mul3A_128, %add3A_129 : i32
      %add3A_131 = vector.broadcast %add3A_130 : i32 to vector<16xi32>
      %add3A_132 = arith.addi %add3A_131, %iota3A : vector<16xi32>
      %gather3A_133 = tpu.vector_load_idx %arg10[%add3A_132] : memref<656xi32, #tpu.memory_space<vmem>>[vector<16xi32>], vector<16xi32>,
      %add3A_134 = arith.addi %add3A_122, %gather3A_133 : vector<16xi32>
      %add3A_135 = arith.constant 18 : i32
      %add3A_136 = arith.addi %add3A_135, %scan3A_61 : i32
      %add3A_137 = arith.constant 2 : i32
      %add3A_138 = arith.addi %add3A_136, %add3A_137 : i32
      %mul3A_139 = arith.constant 18 : i32
      %mul3A_140 = arith.muli %add3A_138, %mul3A_139 : i32
      %add3A_141 = arith.constant 0 : i32
      %add3A_142 = arith.addi %mul3A_140, %add3A_141 : i32
      %add3A_143 = vector.broadcast %add3A_142 : i32 to vector<16xi32>
      %add3A_144 = arith.addi %add3A_143, %iota3A : vector<16xi32>
      %gather3A_145 = tpu.vector_load_idx %arg10[%add3A_144] : memref<656xi32, #tpu.memory_space<vmem>>[vector<16xi32>], vector<16xi32>,
      %add3A_146 = arith.addi %add3A_134, %gather3A_145 : vector<16xi32>
      %add3A_147 = arith.constant 18 : i32
      %add3A_148 = arith.addi %add3A_147, %scan3A_61 : i32
      %add3A_149 = arith.constant 2 : i32
      %add3A_150 = arith.addi %add3A_148, %add3A_149 : i32
      %mul3A_151 = arith.constant 18 : i32
      %mul3A_152 = arith.muli %add3A_150, %mul3A_151 : i32
      %add3A_153 = arith.constant 1 : i32
      %add3A_154 = arith.addi %mul3A_152, %add3A_153 : i32
      %add3A_155 = vector.broadcast %add3A_154 : i32 to vector<16xi32>
      %add3A_156 = arith.addi %add3A_155, %iota3A : vector<16xi32>
      %gather3A_157 = tpu.vector_load_idx %arg10[%add3A_156] : memref<656xi32, #tpu.memory_space<vmem>>[vector<16xi32>], vector<16xi32>,
      %add3A_158 = arith.addi %add3A_146, %gather3A_157 : vector<16xi32>
      %add3A_159 = arith.constant 18 : i32
      %add3A_160 = arith.addi %add3A_159, %scan3A_61 : i32
      %add3A_161 = arith.constant 2 : i32
      %add3A_162 = arith.addi %add3A_160, %add3A_161 : i32
      %mul3A_163 = arith.constant 18 : i32
      %mul3A_164 = arith.muli %add3A_162, %mul3A_163 : i32
      %add3A_165 = arith.constant 2 : i32
      %add3A_166 = arith.addi %mul3A_164, %add3A_165 : i32
      %add3A_167 = vector.broadcast %add3A_166 : i32 to vector<16xi32>
      %add3A_168 = arith.addi %add3A_167, %iota3A : vector<16xi32>
      %gather3A_169 = tpu.vector_load_idx %arg10[%add3A_168] : memref<656xi32, #tpu.memory_space<vmem>>[vector<16xi32>], vector<16xi32>,
      %add3A_170 = arith.addi %add3A_158, %gather3A_169 : vector<16xi32>
      %convert_element_type3A = arith.sitofp %add3A_170 : vector<16xi32> to vector<16xf32>
      %add3A_171 = arith.addf %convert_element_type3A, %gather3A : vector<16xf32>
      %swap3A = arith.constant 1 : i32
      %swap3A_172 = arith.index_cast %swap3A : i32 to index
      %swap3A_173 = arith.index_cast %scan3A_61 : i32 to index
      %swap3A_174 = arith.constant 0 : index
      %swap3A_175 = tpu.vector_load %arg12[%swap3A_172, %swap3A_173, %swap3A_174] {strides = array<i32>} : memref<2x16x16xf32, #tpu.memory_space<vmem>>, vector<16xf32>,
      tpu.vector_store %arg12[%swap3A_172, %swap3A_173, %swap3A_174], %add3A_171 {strides = array<i32>} : memref<2x16x16xf32, #tpu.memory_space<vmem>>, vector<16xf32>,
      %scan3A_176 = arith.constant 0 : i32
      scf.yield %scan3A_176 : i32
    }
    %scan3A_57 = arith.constant 16 : i32
    %run_scoped3A = arith.constant 0 : i32
    %run_scoped3A_58 = arith.constant 0 : i32
    "tpu.region"() ({
      %run_scoped3A_61 = tpu.sem_alloc : memref<!tpu.dma_semaphore, #tpu.memory_space<semaphore_mem>>
      %dma_start3A = arith.constant 0 : i32
      %dma_start3A_62 = arith.constant 0 : i32
      %dma_start3A_63 = tpu.memref_slice %arg12[%run_scoped3A, %dma_start3A, %dma_start3A_62] : memref<2x16x16xf32, #tpu.memory_space<vmem>> -> memref<1x16x16xf32, #tpu.memory_space<vmem>>
      %dma_start3A_64 = tpu.memref_squeeze %dma_start3A_63 : memref<1x16x16xf32, #tpu.memory_space<vmem>> -> memref<16x16xf32, #tpu.memory_space<vmem>>
      %dma_start3A_65 = arith.constant 0 : i32
      %dma_start3A_66 = arith.constant 0 : i32
      %dma_start3A_67 = tpu.memref_slice %arg5[%run_scoped3A_58, %add3A, %dma_start3A_65, %dma_start3A_66] : memref<2x32x16x16xf32, #tpu.memory_space<hbm>> -> memref<1x1x16x16xf32, #tpu.memory_space<hbm>>
      %dma_start3A_68 = tpu.memref_squeeze %dma_start3A_67 : memref<1x1x16x16xf32, #tpu.memory_space<hbm>> -> memref<16x16xf32, #tpu.memory_space<hbm>>
      %dma_start3A_69 = arith.constant 0 : i32
      %dma_start3A_70 = arith.constant 0 : i32
      %dma_start3A_71 = tpu.memref_slice %arg5[%run_scoped3A_58, %add3A, %dma_start3A_69, %dma_start3A_70] : memref<2x32x16x16xf32, #tpu.memory_space<hbm>> -> memref<1x1x16x16xf32, #tpu.memory_space<hbm>>
      %dma_start3A_72 = tpu.memref_squeeze %dma_start3A_71 : memref<1x1x16x16xf32, #tpu.memory_space<hbm>> -> memref<16x16xf32, #tpu.memory_space<hbm>>
      %dma_start3A_73 = arith.constant 0 : i32
      %dma_start3A_74 = arith.constant 0 : i32
      %dma_start3A_75 = tpu.memref_slice %arg12[%run_scoped3A, %dma_start3A_73, %dma_start3A_74] : memref<2x16x16xf32, #tpu.memory_space<vmem>> -> memref<1x16x16xf32, #tpu.memory_space<vmem>>
      %dma_start3A_76 = tpu.memref_squeeze %dma_start3A_75 : memref<1x16x16xf32, #tpu.memory_space<vmem>> -> memref<16x16xf32, #tpu.memory_space<vmem>>
      tpu.enqueue_dma source(%dma_start3A_76 : memref<16x16xf32, #tpu.memory_space<vmem>>) target(%dma_start3A_72 : memref<16x16xf32, #tpu.memory_space<hbm>>) target_semaphore(%run_scoped3A_61 : memref<!tpu.dma_semaphore, #tpu.memory_space<semaphore_mem>>)
      %dma_wait3A = arith.constant 0 : i32
      %dma_wait3A_77 = arith.constant 0 : i32
      %dma_wait3A_78 = tpu.memref_slice %arg12[%run_scoped3A, %dma_wait3A, %dma_wait3A_77] : memref<2x16x16xf32, #tpu.memory_space<vmem>> -> memref<1x16x16xf32, #tpu.memory_space<vmem>>
      %dma_wait3A_79 = tpu.memref_squeeze %dma_wait3A_78 : memref<1x16x16xf32, #tpu.memory_space<vmem>> -> memref<16x16xf32, #tpu.memory_space<vmem>>
      %dma_wait3A_80 = arith.constant 0 : i32
      %dma_wait3A_81 = arith.constant 0 : i32
      %dma_wait3A_82 = tpu.memref_slice %arg5[%run_scoped3A_58, %add3A, %dma_wait3A_80, %dma_wait3A_81] : memref<2x32x16x16xf32, #tpu.memory_space<hbm>> -> memref<1x1x16x16xf32, #tpu.memory_space<hbm>>
      %dma_wait3A_83 = tpu.memref_squeeze %dma_wait3A_82 : memref<1x1x16x16xf32, #tpu.memory_space<hbm>> -> memref<16x16xf32, #tpu.memory_space<hbm>>
      %dma_wait3A_84 = arith.constant 0 : i32
      %dma_wait3A_85 = arith.constant 0 : i32
      %dma_wait3A_86 = tpu.memref_slice %arg5[%run_scoped3A_58, %add3A, %dma_wait3A_84, %dma_wait3A_85] : memref<2x32x16x16xf32, #tpu.memory_space<hbm>> -> memref<1x1x16x16xf32, #tpu.memory_space<hbm>>
      %dma_wait3A_87 = tpu.memref_squeeze %dma_wait3A_86 : memref<1x1x16x16xf32, #tpu.memory_space<hbm>> -> memref<16x16xf32, #tpu.memory_space<hbm>>
      %dma_wait3A_88 = arith.constant 0 : i32
      %dma_wait3A_89 = arith.constant 0 : i32
      %dma_wait3A_90 = tpu.memref_slice %arg12[%run_scoped3A, %dma_wait3A_88, %dma_wait3A_89] : memref<2x16x16xf32, #tpu.memory_space<vmem>> -> memref<1x16x16xf32, #tpu.memory_space<vmem>>
      %dma_wait3A_91 = tpu.memref_squeeze %dma_wait3A_90 : memref<1x16x16xf32, #tpu.memory_space<vmem>> -> memref<16x16xf32, #tpu.memory_space<vmem>>
      tpu.wait_dma2 semaphore(%run_scoped3A_61 : memref<!tpu.dma_semaphore, #tpu.memory_space<semaphore_mem>>) src(%dma_wait3A_91 : memref<16x16xf32, #tpu.memory_space<vmem>>) dst(%dma_wait3A_87 : memref<16x16xf32, #tpu.memory_space<hbm>>)
      tpu.yield
    }) : () -> ()
    %run_scoped3A_59 = arith.constant 1 : i32
    %run_scoped3A_60 = arith.constant 1 : i32
    "tpu.region"() ({
      %run_scoped3A_61 = tpu.sem_alloc : memref<!tpu.dma_semaphore, #tpu.memory_space<semaphore_mem>>
      %dma_start3A = arith.constant 0 : i32
      %dma_start3A_62 = arith.constant 0 : i32
      %dma_start3A_63 = tpu.memref_slice %arg12[%run_scoped3A_59, %dma_start3A, %dma_start3A_62] : memref<2x16x16xf32, #tpu.memory_space<vmem>> -> memref<1x16x16xf32, #tpu.memory_space<vmem>>
      %dma_start3A_64 = tpu.memref_squeeze %dma_start3A_63 : memref<1x16x16xf32, #tpu.memory_space<vmem>> -> memref<16x16xf32, #tpu.memory_space<vmem>>
      %dma_start3A_65 = arith.constant 0 : i32
      %dma_start3A_66 = arith.constant 0 : i32
      %dma_start3A_67 = tpu.memref_slice %arg5[%run_scoped3A_60, %add3A, %dma_start3A_65, %dma_start3A_66] : memref<2x32x16x16xf32, #tpu.memory_space<hbm>> -> memref<1x1x16x16xf32, #tpu.memory_space<hbm>>
      %dma_start3A_68 = tpu.memref_squeeze %dma_start3A_67 : memref<1x1x16x16xf32, #tpu.memory_space<hbm>> -> memref<16x16xf32, #tpu.memory_space<hbm>>
      %dma_start3A_69 = arith.constant 0 : i32
      %dma_start3A_70 = arith.constant 0 : i32
      %dma_start3A_71 = tpu.memref_slice %arg5[%run_scoped3A_60, %add3A, %dma_start3A_69, %dma_start3A_70] : memref<2x32x16x16xf32, #tpu.memory_space<hbm>> -> memref<1x1x16x16xf32, #tpu.memory_space<hbm>>
      %dma_start3A_72 = tpu.memref_squeeze %dma_start3A_71 : memref<1x1x16x16xf32, #tpu.memory_space<hbm>> -> memref<16x16xf32, #tpu.memory_space<hbm>>
      %dma_start3A_73 = arith.constant 0 : i32
      %dma_start3A_74 = arith.constant 0 : i32
      %dma_start3A_75 = tpu.memref_slice %arg12[%run_scoped3A_59, %dma_start3A_73, %dma_start3A_74] : memref<2x16x16xf32, #tpu.memory_space<vmem>> -> memref<1x16x16xf32, #tpu.memory_space<vmem>>
      %dma_start3A_76 = tpu.memref_squeeze %dma_start3A_75 : memref<1x16x16xf32, #tpu.memory_space<vmem>> -> memref<16x16xf32, #tpu.memory_space<vmem>>
      tpu.enqueue_dma source(%dma_start3A_76 : memref<16x16xf32, #tpu.memory_space<vmem>>) target(%dma_start3A_72 : memref<16x16xf32, #tpu.memory_space<hbm>>) target_semaphore(%run_scoped3A_61 : memref<!tpu.dma_semaphore, #tpu.memory_space<semaphore_mem>>)
      %dma_wait3A = arith.constant 0 : i32
      %dma_wait3A_77 = arith.constant 0 : i32
      %dma_wait3A_78 = tpu.memref_slice %arg12[%run_scoped3A_59, %dma_wait3A, %dma_wait3A_77] : memref<2x16x16xf32, #tpu.memory_space<vmem>> -> memref<1x16x16xf32, #tpu.memory_space<vmem>>
      %dma_wait3A_79 = tpu.memref_squeeze %dma_wait3A_78 : memref<1x16x16xf32, #tpu.memory_space<vmem>> -> memref<16x16xf32, #tpu.memory_space<vmem>>
      %dma_wait3A_80 = arith.constant 0 : i32
      %dma_wait3A_81 = arith.constant 0 : i32
      %dma_wait3A_82 = tpu.memref_slice %arg5[%run_scoped3A_60, %add3A, %dma_wait3A_80, %dma_wait3A_81] : memref<2x32x16x16xf32, #tpu.memory_space<hbm>> -> memref<1x1x16x16xf32, #tpu.memory_space<hbm>>
      %dma_wait3A_83 = tpu.memref_squeeze %dma_wait3A_82 : memref<1x1x16x16xf32, #tpu.memory_space<hbm>> -> memref<16x16xf32, #tpu.memory_space<hbm>>
      %dma_wait3A_84 = arith.constant 0 : i32
      %dma_wait3A_85 = arith.constant 0 : i32
      %dma_wait3A_86 = tpu.memref_slice %arg5[%run_scoped3A_60, %add3A, %dma_wait3A_84, %dma_wait3A_85] : memref<2x32x16x16xf32, #tpu.memory_space<hbm>> -> memref<1x1x16x16xf32, #tpu.memory_space<hbm>>
      %dma_wait3A_87 = tpu.memref_squeeze %dma_wait3A_86 : memref<1x1x16x16xf32, #tpu.memory_space<hbm>> -> memref<16x16xf32, #tpu.memory_space<hbm>>
      %dma_wait3A_88 = arith.constant 0 : i32
      %dma_wait3A_89 = arith.constant 0 : i32
      %dma_wait3A_90 = tpu.memref_slice %arg12[%run_scoped3A_59, %dma_wait3A_88, %dma_wait3A_89] : memref<2x16x16xf32, #tpu.memory_space<vmem>> -> memref<1x16x16xf32, #tpu.memory_space<vmem>>
      %dma_wait3A_91 = tpu.memref_squeeze %dma_wait3A_90 : memref<1x16x16xf32, #tpu.memory_space<vmem>> -> memref<16x16xf32, #tpu.memory_space<vmem>>
      tpu.wait_dma2 semaphore(%run_scoped3A_61 : memref<!tpu.dma_semaphore, #tpu.memory_space<semaphore_mem>>) src(%dma_wait3A_91 : memref<16x16xf32, #tpu.memory_space<vmem>>) dst(%dma_wait3A_87 : memref<16x16xf32, #tpu.memory_space<hbm>>)
      tpu.yield
    }) : () -> ()
    return
  }
}

module attributes {stable_mosaic.version = 14 : i64} {
  func.func @_lut_tc_body(%arg0: memref<32x3x3x16x256xi16, #tpu.memory_space<vmem>>, %arg1: memref<32x256xi32, #tpu.memory_space<vmem>>) attributes {dimension_semantics = [], scalar_prefetch = 0 : i64, scratch_operands = 0 : i64, tpu.core_type = #tpu.core_type<tc>} {
    %get3A = arith.constant 0 : index
    %get3A_0 = arith.constant 0 : index
    %get3A_1 = arith.constant 0 : index
    %get3A_2 = arith.constant 0 : index
    %get3A_3 = arith.constant 0 : index
    %get3A_4 = vector.load %arg0[%get3A, %get3A_0, %get3A_1, %get3A_2, %get3A_3] : memref<32x3x3x16x256xi16, #tpu.memory_space<vmem>>, vector<32x3x3x16x256xi16>
    %convert_element_type3A = arith.extsi %get3A_4 : vector<32x3x3x16x256xi16> to vector<32x3x3x16x256xi32>
    %reduce_sum3A = arith.constant dense<0> : vector<32x256xi32>
    %reduce_sum3A_5 = vector.multi_reduction <add>, %convert_element_type3A, %reduce_sum3A [1, 2, 3] : vector<32x3x3x16x256xi32> to vector<32x256xi32>
    %swap3A = arith.constant 0 : index
    %swap3A_6 = arith.constant 0 : index
    %swap3A_7 = vector.load %arg1[%swap3A, %swap3A_6] : memref<32x256xi32, #tpu.memory_space<vmem>>, vector<32x256xi32>
    tpu.vector_store %arg1[%swap3A, %swap3A_6], %reduce_sum3A_5 {strides = array<i32>} : memref<32x256xi32, #tpu.memory_space<vmem>>, vector<32x256xi32>,
    return
  }
}

</mosaic_0001>

<sc_bundles>
// kernel: _pcilt_conv.4.cloned.1.call-start
scs
__scs_entry_jumppad:
0x0: {  	(pc) =	sbr.rel $0x88, $3  }
0x1: {  	(tag) =	ssettag $0x0;
	lr =	simm.s32 $0x1  }
0x2: {  	[smem:$0x3F9E] =	sst lr;
	_ =	strace $0xD0000000  }
0x3: {  	_ = 	snop  }
0x4: {  	_ = 	snop  }
0x5: {  	_ = 	snop  }
0x6: {  	_ = 	snop  }
0x7: {  	_ = 	snop  }
__scs_overlays_trampoline_lowered:
0x8: {  	[smem:$0x3FAD] =	sst s0  }
0x9: {  	[smem:$0x3FAE] =	sst s1  }
0xa: {  	[smem:$0x3FAF] =	sst s2  }
0xb: {  	[smem:$0x3FB0] =	sst s3  }
0xc: {  	[smem:$0x3FB1] =	sst s4  }
0xd: {  	[smem:$0x3FB2] =	sst s5  }
0xe: {  	[smem:$0x3FB3] =	sst s6  }
0xf: {  	[smem:$0x3FB4] =	sst s7  }
0x10: {  	[smem:$0x3FB5] =	sst s8  }
0x11: {  	[smem:$0x3FB6] =	sst s9;
	s0 =	simm.s32 @!p0 $0x0  }
0x12: {  	s1 =	sld [smem:$0x3F9C];
	s0 =	simm.s32 @p0 $0x1  }
0x13: {  	[smem:$0x3FB7] =	sst s0;
	s0 =	simm.s32 @!p1 $0x0  }
0x14: {  	s2 =	sld [smem:$0x3F9B];
	s0 =	simm.s32 @p1 $0x1  }
0x15: {  	[smem:$0x3FB8] =	sst s0;
	s0 =	simm.s32 @!p2 $0x0  }
0x16: {  	s3 =	sld [smem:$0x3FDB];
	s0 =	simm.s32 @p2 $0x1  }
0x17: {  	s4 =	simm.s32 $0x1BF5;
	[smem:$0x3FBA] =	sst s0  }
0x18: {  	s0 =	sld [smem:$0x3F9D];
	_ =	swait.ge [sflag:s4], $0x0  }
0x19: {  	s7 =	sld [smem:$0x3F9E]  }
0x1a: {  	s8 =	sadd.s32 $0xFFFFE003, lr  }
0x1b: {  	s9 =	sadd.s32 $0xFFFFFEF7, lr;
	s5 =	simm.s32 $0xFFFFFFFF;
	p2 =	slt.u32 s8, $0xFFFFF086  }
0x1c: {  	p1 =	slt.u32 s9, $0xF7A;
	s5 =	simm.s32 @!p2 $0x0  }
0x1d: {  	s5 =	simm.s32 @p1 $0x1;
	p0 =	seq.s32 s7, s2  }
0x1e: {  	s7 =	smul.u32 @!p0 $0xF7A, s2;
	p2 =	seq.s32 @!p0 s5, $0x0  }
0x1f: {  	s9 =	smul.u32 $0xF7A, s1;
	s8 =	simm.s32 @!p0 $0x1BF5;
	p2 =	por !p2, p0  }
0x20: {  	[sflag:s8] =	ssyncset.s32 @!p0 $0xFFFFF086;
	s6 =	sadd.s32 @!p0 s3, s7;
	s7 =	simm.s32 @!p0 $0x108  }
0x21: {  	s3 =	sadd.s32 s3, s9;
	s6 =	sadd.s32 @!p0 $0x88, s6;
	s7 =	simm.s32 @p2 $0x1082  }
0x22: {  	[simem:s7], [sflag:s8] =	dma.local @!p0 [hbm:s6], $0xF7A  }
0x23: {  	s9 =	sor.u32 $0xD0000000, s2;
	s6 =	simm.s32 $0x108;
	_ =	swait.ge @!p0 [sflag:s8], $0x0  }
0x24: {  	s3 =	sadd.s32 $0x88, s3;
	s6 =	simm.s32 @!p1 $0x1082;
	[sflag:s4] =	ssyncset.s32 $0xFFFFF086  }
0x25: {  	[simem:s6], [sflag:s4] =	dma.local [hbm:s3], $0xF7A  }
0x26: {  	[smem:$0x3F9E] =	sst s1;
	(tag) =	ssettag s2;
	_ =	strace s9  }
0x27: {  	s1 =	sld [smem:$0x3FAE]  }
0x28: {  	s2 =	sld [smem:$0x3FAF]  }
0x29: {  	s4 =	sld [smem:$0x3FB1]  }
0x2a: {  	p0 =	seq.s32 s5, $0x0;
	s5 =	sld [smem:$0x3FB2]  }
0x2b: {  	s6 =	sld [smem:$0x3FB3]  }
0x2c: {  	s7 =	sld [smem:$0x3FB4]  }
0x2d: {  	s3 =	simm.s32 $0x108;
	s8 =	sld [smem:$0x3FB5]  }
0x2e: {  	s3 =	simm.s32 @!p0 $0x1082;
	s9 =	sld [smem:$0x3FB6]  }
0x2f: {  	lr =	sadd.s32 s0, s3;
	s0 =	sld [smem:$0x3FAD]  }
0x30: {  	s3 =	sld [smem:$0x3FB0]  }
0x31: {  	[smem:$0x3FB9] =	sst s10  }
0x32: {  	s10 =	sld [smem:$0x3FB7];
	_ =	sdelay $0x3  }
0x33: {  	p0 =	seq.s32 s10, $0x1;
	s10 =	sld [smem:$0x3FB9];
	_ =	sdelay $0x3  }
0x34: {  	[smem:$0x3FB9] =	sst s10  }
0x35: {  	s10 =	sld [smem:$0x3FB8];
	_ =	sdelay $0x3  }
0x36: {  	p1 =	seq.s32 s10, $0x1;
	s10 =	sld [smem:$0x3FB9];
	_ =	sdelay $0x3  }
0x37: {  	[smem:$0x3FB9] =	sst s10  }
0x38: {  	s10 =	sld [smem:$0x3FBA]  }
0x39: {  	_ = 	snop;
	(pc) =	sbr.ind lr, $3  }
0x3a: {  	_ = 	snop  }
0x3b: {  	_ = 	snop  }
0x3c: {  	p2 =	seq.s32 s10, $0x1;
	s10 =	sld [smem:$0x3FB9]  }
0x3d: {  	_ =	shalt  }
0x3e: {  	_ =	shalt  }
0x3f: {  	_ =	shalt  }
0x40: {  	_ =	shalt  }
0x41: {  	_ =	shalt  }
0x42: {  	_ =	shalt  }
0x43: {  	_ =	shalt  }
0x44: {  	_ =	shalt  }
0x45: {  	_ =	shalt  }
0x46: {  	_ =	shalt  }
0x47: {  	_ =	shalt  }
0x48: {  	_ =	shalt  }
0x49: {  	_ =	shalt  }
0x4a: {  	_ =	shalt  }
0x4b: {  	_ =	shalt  }
0x4c: {  	_ =	shalt  }
0x4d: {  	_ =	shalt  }
0x4e: {  	_ =	shalt  }
0x4f: {  	_ =	shalt  }
0x50: {  	_ =	shalt  }
0x51: {  	_ =	shalt  }
0x52: {  	_ =	shalt  }
0x53: {  	_ =	shalt  }
0x54: {  	_ =	shalt  }
0x55: {  	_ =	shalt  }
0x56: {  	_ =	shalt  }
0x57: {  	_ =	shalt  }
0x58: {  	_ =	shalt  }
0x59: {  	_ =	shalt  }
0x5a: {  	_ =	shalt  }
0x5b: {  	_ =	shalt  }
0x5c: {  	_ =	shalt  }
0x5d: {  	_ =	shalt  }
0x5e: {  	_ =	shalt  }
0x5f: {  	_ =	shalt  }
0x60: {  	_ =	shalt  }
0x61: {  	_ =	shalt  }
0x62: {  	_ =	shalt  }
0x63: {  	_ =	shalt  }
0x64: {  	_ =	shalt  }
0x65: {  	_ =	shalt  }
0x66: {  	_ =	shalt  }
0x67: {  	_ =	shalt  }
0x68: {  	_ =	shalt  }
0x69: {  	_ =	shalt  }
0x6a: {  	_ =	shalt  }
0x6b: {  	_ =	shalt  }
0x6c: {  	_ =	shalt  }
0x6d: {  	_ =	shalt  }
0x6e: {  	_ =	shalt  }
0x6f: {  	_ =	shalt  }
0x70: {  	_ =	shalt  }
0x71: {  	_ =	shalt  }
0x72: {  	_ =	shalt  }
0x73: {  	_ =	shalt  }
0x74: {  	_ =	shalt  }
0x75: {  	_ =	shalt  }
0x76: {  	_ =	shalt  }
0x77: {  	_ =	shalt  }
0x78: {  	_ =	shalt  }
0x79: {  	_ =	shalt  }
0x7a: {  	_ =	shalt  }
0x7b: {  	_ =	shalt  }
0x7c: {  	_ =	shalt  }
0x7d: {  	_ =	shalt  }
0x7e: {  	_ =	shalt  }
0x7f: {  	_ =	shalt  }
0x80: {  	_ =	shalt  }
0x81: {  	_ =	shalt  }
0x82: {  	_ =	shalt  }
0x83: {  	_ =	shalt  }
0x84: {  	_ =	shalt  }
0x85: {  	_ =	shalt  }
0x86: {  	_ =	shalt  }
0x87: {  	_ =	shalt  }
.Lfunc_end0:
.L_simem_size_0:
called_computation_lowered:
.L_overlay_start_0:
0x88: {  	s2 =	sld [smem:$0x3FD9]  }
0x89: {  	s3 =	sld [smem:$0x3FFE];
	_ =	sdelay $0x1  }
0x8a: {  	s1 =	srdreg.scid  }
0x8b: {  	s0 =	sand.u32 $0x1, s1  }
0x8c: {  	s17 =	sshll.u32 s0, $0xA;
	s2 =	sadd.s32 s3, s2  }
0x8d: {  	s2 =	sadd.s32 s2, s17  }
0x8e: {  	[smem:$0x3FC5] =	sst s2  }
0x8f: {  	_ = 	snop  }
0x90: {  	s2 =	sld [smem:$0x3FC9]  }
0x91: {  	s18 =	sld [smem:$0x3FC8]  }
0x92: {  	s4 =	sld [smem:$0x3FD0];
	(tm) =	ssettm $0x1  }
0x93: {  	s5 =	sld [smem:$0x3FFB];
	_ =	sdelay $0x3  }
0x94: {  	_ =	strace s5  }
0x95: {  	s5 =	sld [smem:$0x3FFC];
	_ =	sdelay $0x3  }
0x96: {  	_ =	strace s5  }
0x97: {  	s5 =	sld [smem:$0x3FFD];
	_ =	sdelay $0x3  }
0x98: {  	_ =	strace s5  }
0x99: {  	_ =	strace $0x8FFFFFFF  }
0x9a: {  	s19 =	sld [smem:$0x3FDB];
	_ =	sdelay $0x1  }
0x9b: {  	s6 =	simm.s32 $_scs_section_size  }
0x9c: {  	s7 =	simm.s32 $_size__tile_overlayer_lowered;
	s8 =	simm.s32 $_tile_overlayer_lowered  }
0x9d: {  	s22 =	simm.s32 $0x1BFF;
	s21 =	sshll.u32 s8, $0x1;
	s5 =	sadd.s32 s6, s19  }
0x9e: {  	s9 =	simm.s32 $0x0;
	s20 =	sshll.u32 s7, $0x1;
	s7 =	sadd.s32 s21, s5  }
0x9f: {  	[timem:s9], [sflag:s22] =	dma.local [hbm:s7], s20  }
0xa0: {  	_ =	swait.ge [sflag:s22], s20  }
0xa1: {  	s6 =	ssub.s32 $0x0, s20;
	[sflag:s22] =	ssyncset.done $0x0  }
0xa2: {  	[sflag:s22] =	ssyncadd.s32 s6;
	_ =	sdelay $0x1  }
0xa3: {  	s23 =	simm.s32 $0x1B8B  }
0xa4: {  	_ =	swait.ge [sflag:s23], $0x1  }
0xa5: {  	[sflag:s23] =	ssyncset.done $0x0  }
0xa6: {  	s25 =	simm.s32 $0x1B8E;
	s24 =	sld [smem:$0x3FFE];
	[sflag:s23] =	ssyncadd.s32 $0xFFFFFFFF  }
0xa7: {  	s26 =	simm.s32 $execute0_lowered;
	[smem:$0x3FD2] =	sst s25  }
0xa8: {  	s7 =	sshll.u32 s26, $0x1;
	_ =	strace $0x80000046;
	[dreg:$0x1] =	wrdreg $0xFFFFFFFF  }
0xa9: {  	s28 =	simm.s32 $_size_execute0_lowered;
	s5 =	sadd.s32 s5, s7;
	[dreg:$0x0] =	wrdreg $0x0  }
0xaa: {  	s7 =	sshll.u32 s28, $0x1;
	[dreg:$0x2] =	wrdreg s5  }
0xab: {  	[dreg:$0x3] =	wrdreg s7  }
0xac: {  	[dreg:$0x4] =	wrdreg $0xC0  }
0xad: {  	_ =	task [dreg:s9], $0x5FFFF  }
0xae: {  	[dreg:$0x1] =	wrdreg $0xFFFFFFFF  }
0xaf: {  	[dreg:$0x0] =	wrdreg $0x60  }
0xb0: {  	[dreg:$0x2] =	wrdreg s2  }
0xb1: {  	[dreg:$0x3] =	wrdreg s18  }
0xb2: {  	[dreg:$0x4] =	wrdreg s24  }
0xb3: {  	[dreg:$0x5] =	wrdreg s4  }
0xb4: {  	[dreg:$0x6] =	wrdreg $0x29B00  }
0xb5: {  	[dreg:$0x7] =	wrdreg $0x9  }
0xb6: {  	_ =	task.clear_ibuf [dreg:s9], $0x8FFFF;
	_ =	strace $0x90000046  }
0xb7: {  	s29 =	simm.s32 $0x9;
	_ =	strace $0x80000048  }
0xb8: {  	_ =	swait.ge [sflag:s29], $0x1  }
0xb9: {  	[sflag:s29] =	ssyncadd.s32 $0xFFFFFFFF  }
0xba: {  	_ =	strace $0x90000048  }
0xbb: {  	_ =	sfence  }
0xbc: {  	s30 =	sld [smem:$0x0];
	_ =	sdelay $0x2  }
0xbd: {  	s31 =	sshll.u32 s1, $0xD;
	s1 =	sshrl.u32 s1, $0x2  }
0xbe: {  	s3 =	sand.u32 $0x4000, s31;
	s1 =	sadd.s32 s1, s30  }
0xbf: {  	s0 =	sor.u32 s3, s0;
	s1 =	sshll.u32 s1, $0x11  }
0xc0: {  	s0 =	sor.u32 s1, s0  }
0xc1: {  	s0 =	sadd.s32 $0x8F2B, s0  }
0xc2: {  	[sflag:s0] =	ssyncadd.remote.s32 $0x1  }
0xc3: {  	_ =	sfence.sel $0xFFFF  }
0xc4: {  	[dreg:$0x0] =	wrdreg $0xFFFFFFFF;
	(pc) =	sbr.abs _section_cstart, $3  }
0xc5: {  	[dreg:$0x1] =	wrdreg $0xFFFFFFFF  }
0xc6: {  	_ =	task.clear_ibuf [dreg:s9], $0x2FFFF;
	_ =	strace $0x9FFFFFFF  }
0xc7: {  	(tm) =	ssettm $0x7FFFFFFF  }
tec
execute0_lowered:
.L_overlay_start_1:
0x0: {  	(tag) =	ssettag $0x1  }
0x1: {  	s6 =	rddreg [dreg:$0x0]  }
0x2: {  	s1 =	rddreg [dreg:$0x1]  }
0x3: {  	s5 =	rddreg [dreg:$0x2]  }
0x4: {  	s7 =	rddreg [dreg:$0x3]  }
0x5: {  	s2 =	srdreg.scid;
	s0 =	stileid.u32  }
0x6: {  	s3 =	rddreg [dreg:$0x4];
	s4 =	simm.s32 $0x0;
	s11 =	simm.s32 $0x2400  }
0x7: {  	s12 =	simm.s32 $0x1;
	s13 =	simm.s32 $0x200;
	s14 =	simm.s32 $0x2790  }
0x8: {  	s15 =	simm.s32 $0x400;
	s16 =	simm.s32 $0x2500;
	s18 =	simm.s32 $0x28B0  }
0x9: {  	s19 =	simm.s32 $0x0;
	s8 =	sand.u32 $0x1, s2;
	s2 =	rddreg [dreg:$0x5]  }
0xa: {  	s9 =	sshll.u32 s0, $0x1;
	[smem:$0x7FF] =	sst s4;
	s30 =	sshll.u32 s0, $0x6  }
0xb: {  	s31 =	sshll.u32 s0, $0x9;
	s17 =	sor.u32 s8, s9;
	s8 =	ssub.s32 $0x2, s8  }
0xc: {  	_ =	strace $0x80000047;
	s6 =	sadd.s32 s6, s30;
	s9 =	sshll.u32 s17, $0x5  }
0xd: {  	s10 =	sshrl.u32 s8, $0x1;
	v0 =	vmov s17;
	s17 =	simm.s32 $0x27B0;
	s5 =	sadd.s32 s9, s5  }
0xe: {  	s10 =	ssub.s32 s8, s10;
	s7 =	sadd.s32 s7, s9;
	s8 =	sadd.s32 s31, s3  }
0xf: {  	vm0 =	vmmov $0x1;
	v1 =	vlaneseq.u32;
	s5 =	sadd.s32 $0x600, s5;
	s9 =	sadd.s32 $0x400, s7;
	s10 =	smax.u32 s10, $0x1  }
.LBB2_1:
0x10: {  	[tilespmem:s11], [sflag:$0x1] =	stream.linear.gather [hbm4b:s5+s4], $0x100, $0x38;
	[tilespmem:$0x2BB0] =	vst v63  }
0x11: {  	_ =	swait.ge [sflag:s12], $0x100  }
0x12: {  	[sflag:s12] =	ssyncset.done $0x0  }
0x13: {  	[sflag:s12] =	ssyncadd.s32 $0xFFFFFF00  }
0x14: {  	[tilespmem:s4], [sflag:$0x1] =	stream.linear.gather [hbm4b:s6+s4], $0x200, $0x38;
	[tilespmem:$0x2BB0] =	vst v63  }
0x15: {  	_ =	swait.ge [sflag:s12], $0x200  }
0x16: {  	[sflag:s12] =	ssyncset.done $0x0  }
0x17: {  	[sflag:s12] =	ssyncadd.s32 $0xFFFFFE00  }
0x18: {  	v2 =	vld [tilespmem:$0x0]  }
0x19: {  	v3 =	vld [tilespmem:$0x10]  }
0x1a: {  	v4 =	vld [tilespmem:$0x20]  }
0x1b: {  	v5 =	vld [tilespmem:$0x30]  }
0x1c: {  	v6 =	vld [tilespmem:$0x40]  }
0x1d: {  	v7 =	vld [tilespmem:$0x50]  }
0x1e: {  	v8 =	vld [tilespmem:$0x60]  }
0x1f: {  	v9 =	vld [tilespmem:$0x70]  }
0x20: {  	v10 =	vld [tilespmem:$0x80]  }
0x21: {  	v11 =	vld [tilespmem:$0x90]  }
0x22: {  	v12 =	vld [tilespmem:$0xA0]  }
0x23: {  	v13 =	vld [tilespmem:$0xB0]  }
0x24: {  	v14 =	vld [tilespmem:$0xC0]  }
0x25: {  	v15 =	vld [tilespmem:$0xD0]  }
0x26: {  	v16 =	vld [tilespmem:$0xE0]  }
0x27: {  	v17 =	vld [tilespmem:$0xF0];
	v2 =	vmul.f32 $2.550000000e+02, v2;
	v3 =	vmul.f32 $2.550000000e+02, v3  }
0x28: {  	v18 =	vld [tilespmem:$0x100];
	v4 =	vmul.f32 $2.550000000e+02, v4;
	v5 =	vmul.f32 $2.550000000e+02, v5  }
0x29: {  	v19 =	vld [tilespmem:$0x110];
	v6 =	vmul.f32 $2.550000000e+02, v6;
	v7 =	vmul.f32 $2.550000000e+02, v7  }
0x2a: {  	v47 =	vld [tilespmem:$0x120];
	v8 =	vmul.f32 $2.550000000e+02, v8;
	v9 =	vmul.f32 $2.550000000e+02, v9  }
0x2b: {  	v53 =	vld [tilespmem:$0x150];
	v10 =	vmul.f32 $2.550000000e+02, v10;
	v11 =	vmul.f32 $2.550000000e+02, v11  }
0x2c: {  	v55 =	vld [tilespmem:$0x160];
	v12 =	vmul.f32 $2.550000000e+02, v12;
	v13 =	vmul.f32 $2.550000000e+02, v13  }
0x2d: {  	v57 =	vld [tilespmem:$0x180];
	v14 =	vmul.f32 $2.550000000e+02, v14;
	v15 =	vmul.f32 $2.550000000e+02, v15  }
0x2e: {  	v45 =	vmul.f32 $2.550000000e+02, v16;
	v46 =	vmul.f32 $2.550000000e+02, v17  }
0x2f: {  	v50 =	vmul.f32 $2.550000000e+02, v18;
	v51 =	vmul.f32 $2.550000000e+02, v19  }
0x30: {  	v54 =	vmul.f32 $2.550000000e+02, v47;
	v58 =	vmul.f32 $2.550000000e+02, v53;
	v2 =	vadd.f32 $5.000000000e-01, v2  }
0x31: {  	v59 =	vmul.f32 $2.550000000e+02, v55;
	v3 =	vadd.f32 $5.000000000e-01, v3;
	v4 =	vadd.f32 $5.000000000e-01, v4  }
0x32: {  	v61 =	vmul.f32 $2.550000000e+02, v57;
	v5 =	vadd.f32 $5.000000000e-01, v5;
	v6 =	vadd.f32 $5.000000000e-01, v6  }
0x33: {  	v7 =	vadd.f32 $5.000000000e-01, v7;
	v8 =	vadd.f32 $5.000000000e-01, v8;
	v2 =	vtrunc.f32 v2  }
0x34: {  	v9 =	vadd.f32 $5.000000000e-01, v9;
	v3 =	vtrunc.f32 v3;
	v4 =	vtrunc.f32 v4  }
0x35: {  	v10 =	vadd.f32 $5.000000000e-01, v10;
	v5 =	vtrunc.f32 v5;
	v6 =	vtrunc.f32 v6  }
0x36: {  	v11 =	vadd.f32 $5.000000000e-01, v11;
	v7 =	vtrunc.f32 v7;
	v8 =	vtrunc.f32 v8  }
0x37: {  	v12 =	vadd.f32 $5.000000000e-01, v12;
	v9 =	vtrunc.f32 v9;
	v10 =	vtrunc.f32 v10  }
0x38: {  	v13 =	vadd.f32 $5.000000000e-01, v13;
	v11 =	vtrunc.f32 v11;
	v2 =	vcvt.f32.s32 v2  }
0x39: {  	v12 =	vtrunc.f32 v12;
	v3 =	vcvt.f32.s32 v3  }
0x3a: {  	v13 =	vtrunc.f32 v13;
	v4 =	vcvt.f32.s32 v4;
	[tilespmem:$0x200] =	vst v2  }
0x3b: {  	v49 =	vld [tilespmem:$0x130];
	v5 =	vcvt.f32.s32 v5;
	v6 =	vcvt.f32.s32 v6;
	[tilespmem:$0x210] =	vst v3  }
0x3c: {  	v52 =	vld [tilespmem:$0x140];
	v14 =	vadd.f32 $5.000000000e-01, v14;
	v7 =	vcvt.f32.s32 v7;
	v8 =	vcvt.f32.s32 v8;
	[tilespmem:$0x220] =	vst v4  }
0x3d: {  	v44 =	vadd.f32 $5.000000000e-01, v15;
	v9 =	vcvt.f32.s32 v9;
	v10 =	vcvt.f32.s32 v10;
	[tilespmem:$0x230] =	vst v5  }
0x3e: {  	v48 =	vadd.f32 $5.000000000e-01, v45;
	v11 =	vcvt.f32.s32 v11;
	v12 =	vcvt.f32.s32 v12;
	[tilespmem:$0x240] =	vst v6  }
0x3f: {  	v2 =	vcvt.f32.s32 v13;
	v3 =	vtrunc.f32 v14;
	[tilespmem:$0x250] =	vst v7  }
0x40: {  	v4 =	vtrunc.f32 v44;
	v5 =	vadd.f32 $5.000000000e-01, v46;
	v6 =	vtrunc.f32 v48;
	[tilespmem:$0x270] =	vst v9  }
0x41: {  	v7 =	vadd.f32 $5.000000000e-01, v50;
	v9 =	vmul.f32 $2.550000000e+02, v49;
	[tilespmem:$0x290] =	vst v11;
	v11 =	vmul.f32 $2.550000000e+02, v52  }
0x42: {  	[tilespmem:$0x260] =	vst v8;
	v8 =	vadd.f32 $5.000000000e-01, v51;
	v3 =	vcvt.f32.s32 v3;
	v4 =	vcvt.f32.s32 v4  }
0x43: {  	v56 =	vld [tilespmem:$0x170];
	[tilespmem:$0x280] =	vst v10;
	v10 =	vadd.f32 $5.000000000e-01, v54;
	v6 =	vcvt.f32.s32 v6;
	v5 =	vtrunc.f32 v5  }
0x44: {  	v7 =	vtrunc.f32 v7;
	v8 =	vtrunc.f32 v8;
	v9 =	vadd.f32 $5.000000000e-01, v9  }
0x45: {  	v10 =	vtrunc.f32 v10;
	[tilespmem:$0x2B0] =	vst v2;
	v5 =	vcvt.f32.s32 v5  }
0x46: {  	v2 =	vcvt.f32.s32 v10;
	v10 =	vadd.f32 $5.000000000e-01, v11;
	v11 =	vld [tilespmem:$0x190];
	[tilespmem:$0x2C0] =	vst v3;
	v9 =	vtrunc.f32 v9  }
0x47: {  	v7 =	vcvt.f32.s32 v7;
	[tilespmem:$0x2D0] =	vst v4;
	v3 =	vcvt.f32.s32 v9;
	v9 =	vadd.f32 $5.000000000e-01, v58  }
0x48: {  	v60 =	vld [tilespmem:$0x1A0];
	[tilespmem:$0x2E0] =	vst v6;
	v4 =	vtrunc.f32 v10;
	v10 =	vmul.f32 $2.550000000e+02, v56  }
0x49: {  	v62 =	vld [tilespmem:$0x1C0];
	v8 =	vcvt.f32.s32 v8;
	[tilespmem:$0x2F0] =	vst v5;
	v6 =	vtrunc.f32 v9;
	v9 =	vadd.f32 $5.000000000e-01, v59  }
0x4a: {  	[tilespmem:$0x300] =	vst v7;
	v4 =	vcvt.f32.s32 v4;
	v5 =	vcvt.f32.s32 v6;
	v6 =	vadd.f32 $5.000000000e-01, v10;
	v10 =	vld [tilespmem:$0x1B0]  }
0x4b: {  	[tilespmem:$0x310] =	vst v8;
	v8 =	vld [tilespmem:$0x1D0];
	v11 =	vmul.f32 $2.550000000e+02, v11;
	v7 =	vtrunc.f32 v9;
	v9 =	vadd.f32 $5.000000000e-01, v61  }
0x4c: {  	[tilespmem:$0x320] =	vst v2;
	v7 =	vcvt.f32.s32 v7;
	v6 =	vtrunc.f32 v6  }
0x4d: {  	v63 =	vld [tilespmem:$0x1E0];
	[tilespmem:$0x330] =	vst v3;
	v2 =	vtrunc.f32 v9;
	v9 =	vadd.f32 $5.000000000e-01, v11;
	v11 =	vmul.f32 $2.550000000e+02, v60  }
0x4e: {  	[tilespmem:$0x350] =	vst v5;
	v5 =	vmul.f32 $2.550000000e+02, v62;
	v3 =	vcvt.f32.s32 v6;
	v6 =	vld [tilespmem:$0x1F0]  }
0x4f: {  	[tilespmem:$0x340] =	vst v4;
	v4 =	vtrunc.f32 v9;
	v9 =	vadd.f32 $5.000000000e-01, v11;
	v10 =	vmul.f32 $2.550000000e+02, v10  }
0x50: {  	[tilespmem:$0x2A0] =	vst v12;
	v8 =	vmul.f32 $2.550000000e+02, v8;
	v2 =	vcvt.f32.s32 v2  }
0x51: {  	[tilespmem:$0x360] =	vst v7;
	v4 =	vcvt.f32.s32 v4;
	v7 =	vtrunc.f32 v9;
	v9 =	vadd.f32 $5.000000000e-01, v10  }
0x52: {  	v5 =	vadd.f32 $5.000000000e-01, v5;
	[tilespmem:$0x370] =	vst v3;
	v3 =	vcvt.f32.s32 v7;
	v7 =	vmul.f32 $2.550000000e+02, v63  }
0x53: {  	v8 =	vadd.f32 $5.000000000e-01, v8;
	[tilespmem:$0x380] =	vst v2;
	v6 =	vmul.f32 $2.550000000e+02, v6;
	v2 =	vtrunc.f32 v9  }
0x54: {  	[tilespmem:$0x390] =	vst v4;
	v4 =	vtrunc.f32 v5;
	v2 =	vcvt.f32.s32 v2;
	v5 =	vadd.f32 $5.000000000e-01, v7  }
0x55: {  	[tilespmem:$0x3A0] =	vst v3;
	v3 =	vcvt.f32.s32 v4;
	v4 =	vtrunc.f32 v8;
	v6 =	vadd.f32 $5.000000000e-01, v6  }
0x56: {  	[tilespmem:$0x3B0] =	vst v2;
	v2 =	vcvt.f32.s32 v4;
	v4 =	vtrunc.f32 v5  }
0x57: {  	[tilespmem:$0x3C0] =	vst v3;
	v3 =	vcvt.f32.s32 v4;
	v4 =	vtrunc.f32 v6  }
0x58: {  	[tilespmem:$0x3D0] =	vst v2;
	v2 =	vcvt.f32.s32 v4  }
0x59: {  	[tilespmem:$0x3E0] =	vst v3  }
0x5a: {  	[tilespmem:$0x3F0] =	vst v2  }
0x5b: {  	[spmem:s8] =	stream.linear.scatter [tilespmem:s13], [sflag:$0x1], $0x200, $0x38;
	[tilespmem:$0x2BB0] =	vst v63  }
0x5c: {  	_ =	swait.ge [sflag:s12], $0x200  }
0x5d: {  	[sflag:s12] =	ssyncset.done $0x0  }
0x5e: {  	[sflag:s12] =	ssyncadd.s32 $0xFFFFFE00  }
0x5f: {  	[tilespmem:s14], [sflag:$0x1] =	stream.linear.gather [hbm4b:s1+s4], $0x20, $0x38;
	[tilespmem:$0x2BB0] =	vst v63  }
0x60: {  	_ =	swait.ge [sflag:s12], $0x20  }
0x61: {  	[sflag:s12] =	ssyncset.done $0x0  }
0x62: {  	[sflag:s12] =	ssyncadd.s32 $0xFFFFFFE0  }
0x63: {  	[bflag:$0x0] =	sbarrier.arrive $0xFFFF  }
0x64: {  	[tilespmem:s15], [sflag:$0x1] =	stream.linear.gather [spmem:s3], $0x2000, $0x38;
	[tilespmem:$0x2BB0] =	vst v63  }
0x65: {  	_ =	swait.ge [sflag:s12], $0x2000  }
0x66: {  	[sflag:s12] =	ssyncset.done $0x0  }
0x67: {  	[sflag:s12] =	ssyncadd.s32 $0xFFFFE000  }
0x68: {  	v2 =	vld [tilespmem:$0x2400];
	_ =	sdelay $0x4  }
0x69: {  	v2 =	vnsel vm0, $0x0, v2  }
0x6a: {  	(xrf0) =	vadd.scan.msk.s32 $0xffff, v2;
	_ =	sdelay $0x5  }
0x6b: {  	v2, _, _ =	vpop (xrf0)  }
0x6c: {  	(v2sf) =	vpush v2, $0xF;
	_ =	sdelay $0xe  }
0x6d: {  	s20 =	spop (v2sf)  }
0x6e: {  	s20 =	sshll.u32 s20, $0x4  }
0x6f: {  	v2 =	vmov s20  }
0x70: {  	[tilespmem:$0x2500] =	vst v2  }
0x71: {  	[tilespmem:$0x2510] =	vst v2  }
0x72: {  	[tilespmem:$0x2520] =	vst v2  }
0x73: {  	[tilespmem:$0x2530] =	vst v2  }
0x74: {  	[tilespmem:$0x2540] =	vst v2  }
0x75: {  	[tilespmem:$0x2550] =	vst v2  }
0x76: {  	[tilespmem:$0x2560] =	vst v2  }
0x77: {  	[tilespmem:$0x2570] =	vst v2  }
0x78: {  	[tilespmem:$0x2580] =	vst v2  }
0x79: {  	[tilespmem:$0x2590] =	vst v2  }
0x7a: {  	[tilespmem:$0x25A0] =	vst v2  }
0x7b: {  	[tilespmem:$0x25B0] =	vst v2  }
0x7c: {  	[tilespmem:$0x25C0] =	vst v2  }
0x7d: {  	[tilespmem:$0x25D0] =	vst v2  }
0x7e: {  	[tilespmem:$0x25E0] =	vst v2  }
0x7f: {  	[tilespmem:$0x25F0] =	vst v2  }
0x80: {  	[tilespmem:$0x2600] =	vst v2  }
0x81: {  	[tilespmem:$0x2610] =	vst v2  }
0x82: {  	[tilespmem:$0x2620] =	vst v2  }
0x83: {  	[tilespmem:$0x2630] =	vst v2  }
0x84: {  	[tilespmem:$0x2640] =	vst v2  }
0x85: {  	[tilespmem:$0x2650] =	vst v2  }
0x86: {  	[tilespmem:$0x2660] =	vst v2  }
0x87: {  	[tilespmem:$0x2670] =	vst v2  }
0x88: {  	[tilespmem:$0x2680] =	vst v2  }
0x89: {  	[tilespmem:$0x2690] =	vst v2  }
0x8a: {  	[tilespmem:$0x26A0] =	vst v2  }
0x8b: {  	[tilespmem:$0x26B0] =	vst v2  }
0x8c: {  	[tilespmem:$0x26C0] =	vst v2  }
0x8d: {  	[tilespmem:$0x26D0] =	vst v2  }
0x8e: {  	[tilespmem:$0x26E0] =	vst v2  }
0x8f: {  	[tilespmem:$0x26F0] =	vst v2  }
0x90: {  	[tilespmem:$0x2700] =	vst v2  }
0x91: {  	[tilespmem:$0x2710] =	vst v2  }
0x92: {  	[tilespmem:$0x2720] =	vst v2  }
0x93: {  	[tilespmem:$0x2730] =	vst v2  }
0x94: {  	[tilespmem:$0x2740] =	vst v2  }
0x95: {  	[tilespmem:$0x2750] =	vst v2  }
0x96: {  	[tilespmem:$0x2760] =	vst v2  }
0x97: {  	[tilespmem:$0x2770] =	vst v2  }
0x98: {  	s21 =	simm.s32 $0xC00;
	[tilespmem:$0x2780] =	vst v2  }
0x99: {  	v2 =	vld [tilespmem:s21+$0x700]  }
0x9a: {  	v3 =	vld [tilespmem:s21+$0x600]  }
0x9b: {  	v4 =	vld [tilespmem:s21+$0x500]  }
0x9c: {  	v5 =	vld [tilespmem:s21+$0x400]  }
0x9d: {  	v6 =	vld [tilespmem:s21+$0x300]  }
0x9e: {  	v7 =	vld [tilespmem:s21+$0x200]  }
0x9f: {  	v8 =	vld [tilespmem:s21+$0x100]  }
0xa0: {  	v9 =	vld [tilespmem:s21+$0x0]  }
0xa1: {  	v10 =	vld [tilespmem:s21+$0xFFFFF800]  }
0xa2: {  	s22 =	simm.s32 $0x25;
	s20 =	simm.s32 $0x13;
	v11 =	vld [tilespmem:s21+$0xFFFFF900]  }
.LBB2_2:
0xa3: {  	p0 =	sne.s32 s22, $0x121;
	v12 =	vld [tilespmem:s21+$0xFFFFFA00]  }
0xa4: {  	v13 =	vld [tilespmem:s21+$0xFFFFFB00]  }
0xa5: {  	v14 =	vld [tilespmem:s21+$0xFFFFFC00]  }
0xa6: {  	v15 =	vld [tilespmem:s21+$0xFFFFFD00]  }
0xa7: {  	v16 =	vld [tilespmem:s21+$0xFFFFFE00]  }
0xa8: {  	v17 =	vld [tilespmem:s21+$0xFFFFFF00]  }
0xa9: {  	v10 =	vld.idx.msk [tilespmem:v10+s11+$0x0], $0xffff  }
0xaa: {  	v11 =	vld.idx.msk [tilespmem:v11+s11+$0x0], $0xffff  }
0xab: {  	v12 =	vld.idx.msk [tilespmem:v12+s11+$0x0], $0xffff  }
0xac: {  	v13 =	vld.idx.msk [tilespmem:v13+s11+$0x0], $0xffff  }
0xad: {  	v14 =	vld.idx.msk [tilespmem:v14+s11+$0x0], $0xffff  }
0xae: {  	v15 =	vld.idx.msk [tilespmem:v15+s11+$0x0], $0xffff  }
0xaf: {  	v16 =	vld.idx.msk [tilespmem:v16+s11+$0x0], $0xffff  }
0xb0: {  	v10 =	vadd.s32 v10, v11;
	v11 =	vld.idx.msk [tilespmem:v17+s11+$0x0], $0xffff  }
0xb1: {  	v10 =	vadd.s32 v12, v10;
	v9 =	vld.idx.msk [tilespmem:v9+s11+$0x0], $0xffff  }
0xb2: {  	v10 =	vadd.s32 v13, v10;
	v8 =	vld.idx.msk [tilespmem:v8+s11+$0x0], $0xffff  }
0xb3: {  	v10 =	vadd.s32 v14, v10;
	v7 =	vld.idx.msk [tilespmem:v7+s11+$0x0], $0xffff  }
0xb4: {  	v10 =	vadd.s32 v15, v10;
	v6 =	vld.idx.msk [tilespmem:v6+s11+$0x0], $0xffff  }
0xb5: {  	v10 =	vadd.s32 v16, v10;
	v5 =	vld.idx.msk [tilespmem:v5+s11+$0x0], $0xffff  }
0xb6: {  	v10 =	vadd.s32 v11, v10;
	v4 =	vld.idx.msk [tilespmem:v4+s11+$0x0], $0xffff  }
0xb7: {  	v9 =	vadd.s32 v9, v10;
	v3 =	vld.idx.msk [tilespmem:v3+s11+$0x0], $0xffff  }
0xb8: {  	v8 =	vadd.s32 v8, v9;
	v2 =	vld.idx.msk [tilespmem:v2+s11+$0x0], $0xffff  }
0xb9: {  	v7 =	vadd.s32 v7, v8  }
0xba: {  	v6 =	vadd.s32 v6, v7;
	v7 =	vadd.s32 s20, v1;
	s20 =	smov.u32 s22  }
0xbb: {  	v5 =	vadd.s32 v5, v6  }
0xbc: {  	v4 =	vadd.s32 v4, v5  }
0xbd: {  	v3 =	vadd.s32 v3, v4  }
0xbe: {  	v2 =	vadd.s32 v2, v3  }
0xbf: {  	s21 =	sadd.s32 $0x10, s21;
	[tilespmem:v7+s16+$0x0] =	vst.idx.msk $0xffff, v2  }
0xc0: {  	v2 =	vld [tilespmem:s21+$0x700]  }
0xc1: {  	v3 =	vld [tilespmem:s21+$0x600]  }
0xc2: {  	v4 =	vld [tilespmem:s21+$0x500]  }
0xc3: {  	v5 =	vld [tilespmem:s21+$0x400]  }
0xc4: {  	v6 =	vld [tilespmem:s21+$0x300]  }
.Ltmp0:
0xc5: {  	v7 =	vld [tilespmem:s21+$0x200];
	(pc) =	sbr.rel @p0 .LBB2_2-.Ltmp0, $4  }
0xc6: {  	v8 =	vld [tilespmem:s21+$0x100]  }
0xc7: {  	v9 =	vld [tilespmem:s21+$0x0]  }
0xc8: {  	v10 =	vld [tilespmem:s21+$0xFFFFF800]  }
0xc9: {  	s22 =	sadd.s32 $0x12, s22;
	v11 =	vld [tilespmem:s21+$0xFFFFF900]  }
0xca: {  	_ = 	snop  }
0xcb: {  	v12 =	vld [tilespmem:s21+$0xFFFFFA00]  }
0xcc: {  	v13 =	vld [tilespmem:s21+$0xFFFFFB00]  }
0xcd: {  	v14 =	vld [tilespmem:s21+$0xFFFFFC00]  }
0xce: {  	v15 =	vld [tilespmem:s21+$0xFFFFFD00]  }
0xcf: {  	v16 =	vld [tilespmem:s21+$0xFFFFFE00]  }
0xd0: {  	v17 =	vld [tilespmem:s21+$0xFFFFFF00]  }
0xd1: {  	v10 =	vld.idx.msk [tilespmem:v10+s11+$0x0], $0xffff  }
0xd2: {  	v11 =	vld.idx.msk [tilespmem:v11+s11+$0x0], $0xffff  }
0xd3: {  	v12 =	vld.idx.msk [tilespmem:v12+s11+$0x0], $0xffff  }
0xd4: {  	v13 =	vld.idx.msk [tilespmem:v13+s11+$0x0], $0xffff  }
0xd5: {  	v14 =	vld.idx.msk [tilespmem:v14+s11+$0x0], $0xffff  }
0xd6: {  	v15 =	vld.idx.msk [tilespmem:v15+s11+$0x0], $0xffff  }
0xd7: {  	v16 =	vld.idx.msk [tilespmem:v16+s11+$0x0], $0xffff;
	v10 =	vadd.s32 v10, v11  }
0xd8: {  	v11 =	vld.idx.msk [tilespmem:v17+s11+$0x0], $0xffff;
	v10 =	vadd.s32 v12, v10  }
0xd9: {  	v9 =	vld.idx.msk [tilespmem:v9+s11+$0x0], $0xffff;
	v10 =	vadd.s32 v13, v10  }
0xda: {  	v8 =	vld.idx.msk [tilespmem:v8+s11+$0x0], $0xffff;
	v10 =	vadd.s32 v14, v10  }
0xdb: {  	v7 =	vld.idx.msk [tilespmem:v7+s11+$0x0], $0xffff;
	v10 =	vadd.s32 v15, v10  }
0xdc: {  	v6 =	vld.idx.msk [tilespmem:v6+s11+$0x0], $0xffff;
	v10 =	vadd.s32 v16, v10  }
0xdd: {  	v5 =	vld.idx.msk [tilespmem:v5+s11+$0x0], $0xffff;
	v10 =	vadd.s32 v11, v10  }
0xde: {  	v4 =	vld.idx.msk [tilespmem:v4+s11+$0x0], $0xffff;
	v9 =	vadd.s32 v9, v10  }
0xdf: {  	v3 =	vld.idx.msk [tilespmem:v3+s11+$0x0], $0xffff;
	v8 =	vadd.s32 v8, v9  }
0xe0: {  	v2 =	vld.idx.msk [tilespmem:v2+s11+$0x0], $0xffff;
	v7 =	vadd.s32 v7, v8  }
0xe1: {  	v6 =	vadd.s32 v6, v7;
	v7 =	vadd.s32 s20, v1  }
0xe2: {  	v5 =	vadd.s32 v5, v6  }
0xe3: {  	v4 =	vadd.s32 v4, v5  }
0xe4: {  	v3 =	vadd.s32 v3, v4  }
0xe5: {  	v2 =	vadd.s32 v2, v3  }
0xe6: {  	s21 =	simm.s32 $0x2300;
	[tilespmem:v7+s16+$0x0] =	vst.idx.msk $0xffff, v2  }
0xe7: {  	v2 =	vld [tilespmem:s21+$0x0]  }
0xe8: {  	v3 =	vld [tilespmem:s21+$0xFFFFFF00]  }
0xe9: {  	v4 =	vld [tilespmem:s21+$0xFFFFFE00]  }
0xea: {  	v5 =	vld [tilespmem:s21+$0xFFFFFD00]  }
0xeb: {  	v6 =	vld [tilespmem:s21+$0xFFFFFC00]  }
0xec: {  	v7 =	vld [tilespmem:s21+$0xFFFFFB00]  }
0xed: {  	v8 =	vld [tilespmem:s21+$0xFFFFFA00]  }
0xee: {  	v9 =	vld [tilespmem:s21+$0xFFFFF900]  }
0xef: {  	v10 =	vld [tilespmem:s21+$0xFFFFF100]  }
0xf0: {  	s22 =	simm.s32 $0x169;
	s20 =	simm.s32 $0x157;
	v11 =	vld [tilespmem:s21+$0xFFFFF200]  }
.LBB2_4:
0xf1: {  	p0 =	sne.s32 s22, $0x265;
	v12 =	vld [tilespmem:s21+$0xFFFFF300]  }
0xf2: {  	v13 =	vld [tilespmem:s21+$0xFFFFF400]  }
0xf3: {  	v14 =	vld [tilespmem:s21+$0xFFFFF500]  }
0xf4: {  	v15 =	vld [tilespmem:s21+$0xFFFFF600]  }
0xf5: {  	v16 =	vld [tilespmem:s21+$0xFFFFF700]  }
0xf6: {  	v17 =	vld [tilespmem:s21+$0xFFFFF800]  }
0xf7: {  	v10 =	vld.idx.msk [tilespmem:v10+s11+$0x0], $0xffff  }
0xf8: {  	v11 =	vld.idx.msk [tilespmem:v11+s11+$0x0], $0xffff  }
0xf9: {  	v12 =	vld.idx.msk [tilespmem:v12+s11+$0x0], $0xffff  }
0xfa: {  	v13 =	vld.idx.msk [tilespmem:v13+s11+$0x0], $0xffff  }
0xfb: {  	v14 =	vld.idx.msk [tilespmem:v14+s11+$0x0], $0xffff  }
0xfc: {  	v15 =	vld.idx.msk [tilespmem:v15+s11+$0x0], $0xffff  }
0xfd: {  	v16 =	vld.idx.msk [tilespmem:v16+s11+$0x0], $0xffff  }
0xfe: {  	v10 =	vadd.s32 v10, v11;
	v11 =	vld.idx.msk [tilespmem:v17+s11+$0x0], $0xffff  }
0xff: {  	v10 =	vadd.s32 v12, v10;
	v9 =	vld.idx.msk [tilespmem:v9+s11+$0x0], $0xffff  }
0x100: {  	v10 =	vadd.s32 v13, v10;
	v8 =	vld.idx.msk [tilespmem:v8+s11+$0x0], $0xffff  }
0x101: {  	v10 =	vadd.s32 v14, v10;
	v7 =	vld.idx.msk [tilespmem:v7+s11+$0x0], $0xffff  }
0x102: {  	v10 =	vadd.s32 v15, v10;
	v6 =	vld.idx.msk [tilespmem:v6+s11+$0x0], $0xffff  }
0x103: {  	v10 =	vadd.s32 v16, v10;
	v5 =	vld.idx.msk [tilespmem:v5+s11+$0x0], $0xffff  }
0x104: {  	v10 =	vadd.s32 v11, v10;
	v4 =	vld.idx.msk [tilespmem:v4+s11+$0x0], $0xffff  }
0x105: {  	v9 =	vadd.s32 v9, v10;
	v3 =	vld.idx.msk [tilespmem:v3+s11+$0x0], $0xffff  }
0x106: {  	v8 =	vadd.s32 v8, v9;
	v2 =	vld.idx.msk [tilespmem:v2+s11+$0x0], $0xffff  }
0x107: {  	v7 =	vadd.s32 v7, v8  }
0x108: {  	v6 =	vadd.s32 v6, v7;
	v7 =	vadd.s32 s20, v1;
	s20 =	smov.u32 s22  }
0x109: {  	v5 =	vadd.s32 v5, v6  }
0x10a: {  	v4 =	vadd.s32 v4, v5  }
0x10b: {  	v3 =	vadd.s32 v3, v4  }
0x10c: {  	v2 =	vadd.s32 v2, v3  }
0x10d: {  	s21 =	sadd.s32 $0x10, s21;
	[tilespmem:v7+s16+$0x0] =	vst.idx.msk $0xffff, v2  }
0x10e: {  	v2 =	vld [tilespmem:s21+$0x0]  }
0x10f: {  	v3 =	vld [tilespmem:s21+$0xFFFFFF00]  }
0x110: {  	v4 =	vld [tilespmem:s21+$0xFFFFFE00]  }
0x111: {  	v5 =	vld [tilespmem:s21+$0xFFFFFD00]  }
0x112: {  	v6 =	vld [tilespmem:s21+$0xFFFFFC00]  }
.Ltmp1:
0x113: {  	v7 =	vld [tilespmem:s21+$0xFFFFFB00];
	(pc) =	sbr.rel @p0 .LBB2_4-.Ltmp1, $4  }
0x114: {  	v8 =	vld [tilespmem:s21+$0xFFFFFA00]  }
0x115: {  	v9 =	vld [tilespmem:s21+$0xFFFFF900]  }
0x116: {  	v10 =	vld [tilespmem:s21+$0xFFFFF100]  }
0x117: {  	s22 =	sadd.s32 $0x12, s22;
	v11 =	vld [tilespmem:s21+$0xFFFFF200]  }
0x118: {  	_ = 	snop  }
0x119: {  	v12 =	vld [tilespmem:s21+$0xFFFFF300]  }
0x11a: {  	v13 =	vld [tilespmem:s21+$0xFFFFF400]  }
0x11b: {  	v14 =	vld [tilespmem:s21+$0xFFFFF500]  }
0x11c: {  	v15 =	vld [tilespmem:s21+$0xFFFFF600]  }
0x11d: {  	v16 =	vld [tilespmem:s21+$0xFFFFF700]  }
0x11e: {  	v17 =	vld [tilespmem:s21+$0xFFFFF800]  }
0x11f: {  	v10 =	vld.idx.msk [tilespmem:v10+s11+$0x0], $0xffff  }
0x120: {  	v11 =	vld.idx.msk [tilespmem:v11+s11+$0x0], $0xffff  }
0x121: {  	v12 =	vld.idx.msk [tilespmem:v12+s11+$0x0], $0xffff  }
0x122: {  	v13 =	vld.idx.msk [tilespmem:v13+s11+$0x0], $0xffff  }
0x123: {  	v14 =	vld.idx.msk [tilespmem:v14+s11+$0x0], $0xffff  }
0x124: {  	v15 =	vld.idx.msk [tilespmem:v15+s11+$0x0], $0xffff  }
0x125: {  	v16 =	vld.idx.msk [tilespmem:v16+s11+$0x0], $0xffff;
	v10 =	vadd.s32 v10, v11  }
0x126: {  	v56 =	vld.idx.msk [tilespmem:v17+s11+$0x0], $0xffff;
	v10 =	vadd.s32 v12, v10  }
0x127: {  	v9 =	vld.idx.msk [tilespmem:v9+s11+$0x0], $0xffff;
	v10 =	vadd.s32 v13, v10  }
0x128: {  	v8 =	vld.idx.msk [tilespmem:v8+s11+$0x0], $0xffff;
	v10 =	vadd.s32 v14, v10  }
0x129: {  	v7 =	vld.idx.msk [tilespmem:v7+s11+$0x0], $0xffff;
	v10 =	vadd.s32 v15, v10  }
0x12a: {  	v6 =	vld.idx.msk [tilespmem:v6+s11+$0x0], $0xffff;
	v10 =	vadd.s32 v16, v10  }
0x12b: {  	v5 =	vld.idx.msk [tilespmem:v5+s11+$0x0], $0xffff;
	v10 =	vadd.s32 v56, v10  }
0x12c: {  	v4 =	vld.idx.msk [tilespmem:v4+s11+$0x0], $0xffff;
	v9 =	vadd.s32 v9, v10  }
0x12d: {  	v3 =	vld.idx.msk [tilespmem:v3+s11+$0x0], $0xffff;
	v8 =	vadd.s32 v8, v9  }
0x12e: {  	v2 =	vld.idx.msk [tilespmem:v2+s11+$0x0], $0xffff;
	v7 =	vadd.s32 v7, v8  }
0x12f: {  	s22 =	simm.s32 $0x1;
	v6 =	vadd.s32 v6, v7;
	v7 =	vadd.s32 s20, v1  }
0x130: {  	s23 =	simm.s32 $0x0;
	v5 =	vadd.s32 v5, v6;
	v6 =	vadd.s32 s22, v1  }
0x131: {  	s24 =	simm.s32 $0x2;
	v4 =	vadd.s32 v4, v5;
	v5 =	vadd.s32 s23, v1  }
0x132: {  	s25 =	simm.s32 $0x12;
	v3 =	vadd.s32 v3, v4;
	v4 =	vadd.s32 s24, v1  }
0x133: {  	s26 =	simm.s32 $0x13;
	v2 =	vadd.s32 v2, v3;
	v3 =	vadd.s32 s25, v1  }
0x134: {  	s28 =	simm.s32 $0x14;
	[tilespmem:v7+s16+$0x0] =	vst.idx.msk $0xffff, v2;
	v2 =	vadd.s32 s26, v1  }
0x135: {  	s29 =	simm.s32 $0x24;
	v7 =	vadd.s32 s28, v1;
	v6 =	vld.idx.msk [tilespmem:v6+s16+$0x0], $0xffff  }
0x136: {  	s30 =	simm.s32 $0x25;
	v57 =	vadd.s32 s29, v1;
	v5 =	vld.idx.msk [tilespmem:v5+s16+$0x0], $0xffff  }
0x137: {  	s31 =	simm.s32 $0x26;
	v58 =	vadd.s32 s30, v1;
	v4 =	vld.idx.msk [tilespmem:v4+s16+$0x0], $0xffff  }
0x138: {  	v59 =	vadd.s32 s31, v1;
	v3 =	vld.idx.msk [tilespmem:v3+s16+$0x0], $0xffff  }
0x139: {  	v2 =	vld.idx.msk [tilespmem:v2+s16+$0x0], $0xffff  }
0x13a: {  	v7 =	vld.idx.msk [tilespmem:v7+s16+$0x0], $0xffff  }
0x13b: {  	v8 =	vld.idx.msk [tilespmem:v57+s16+$0x0], $0xffff;
	v5 =	vadd.s32 v5, v6  }
0x13c: {  	v6 =	vld.idx.msk [tilespmem:v58+s16+$0x0], $0xffff;
	v4 =	vadd.s32 v4, v5  }
0x13d: {  	v5 =	vld.idx.msk [tilespmem:v59+s16+$0x0], $0xffff;
	v3 =	vadd.s32 v3, v4  }
0x13e: {  	v2 =	vadd.s32 v2, v3  }
0x13f: {  	v3 =	vadd.s32 v7, v2  }
0x140: {  	v2 =	vld.idx.msk [tilespmem:v0+s14+$0x0], $0xffff;
	v3 =	vadd.s32 v8, v3  }
0x141: {  	v3 =	vadd.s32 v6, v3  }
0x142: {  	s22 =	simm.s32 $0x13;
	v3 =	vadd.s32 v5, v3  }
0x143: {  	s23 =	simm.s32 $0x12;
	v4 =	vadd.s32 s22, v1;
	v3 =	vcvt.s32.f32 v3  }
0x144: {  	s24 =	simm.s32 $0x14;
	v5 =	vadd.s32 s23, v1  }
0x145: {  	s25 =	simm.s32 $0x24;
	v6 =	vadd.s32 s24, v1;
	v3 =	vadd.f32 v3, v2  }
0x146: {  	s20 =	simm.s32 $0x27B0;
	s26 =	simm.s32 $0x25;
	v7 =	vadd.s32 s25, v1  }
0x147: {  	s28 =	simm.s32 $0x26;
	v60 =	vadd.s32 s26, v1;
	[tilespmem:s20+$0x0] =	vst v3  }
0x148: {  	s29 =	simm.s32 $0x36;
	v3 =	vld.idx.msk [tilespmem:v4+s16+$0x0], $0xffff;
	v4 =	vadd.s32 s28, v1  }
0x149: {  	s30 =	simm.s32 $0x37;
	v61 =	vadd.s32 s29, v1;
	v5 =	vld.idx.msk [tilespmem:v5+s16+$0x0], $0xffff  }
0x14a: {  	v62 =	vadd.s32 s30, v1;
	s22 =	simm.s32 $0x38;
	v6 =	vld.idx.msk [tilespmem:v6+s16+$0x0], $0xffff  }
0x14b: {  	v63 =	vadd.s32 s22, v1;
	v7 =	vld.idx.msk [tilespmem:v7+s16+$0x0], $0xffff  }
0x14c: {  	v8 =	vld.idx.msk [tilespmem:v60+s16+$0x0], $0xffff  }
0x14d: {  	v4 =	vld.idx.msk [tilespmem:v4+s16+$0x0], $0xffff  }
0x14e: {  	v9 =	vld.idx.msk [tilespmem:v61+s16+$0x0], $0xffff;
	v3 =	vadd.s32 v5, v3  }
0x14f: {  	v5 =	vld.idx.msk [tilespmem:v62+s16+$0x0], $0xffff;
	v3 =	vadd.s32 v6, v3  }
0x150: {  	v6 =	vld.idx.msk [tilespmem:v63+s16+$0x0], $0xffff;
	v3 =	vadd.s32 v7, v3  }
0x151: {  	v3 =	vadd.s32 v8, v3  }
0x152: {  	v3 =	vadd.s32 v4, v3  }
0x153: {  	v3 =	vadd.s32 v9, v3  }
0x154: {  	v3 =	vadd.s32 v5, v3  }
0x155: {  	s31 =	simm.s32 $0x25;
	v4 =	vadd.s32 v6, v3  }
0x156: {  	s21 =	simm.s32 $0x4A;
	s22 =	simm.s32 $0x5C;
	s23 =	simm.s32 $0x24;
	v3 =	vadd.s32 s31, v1;
	v4 =	vcvt.s32.f32 v4  }
.LBB2_6:
0x157: {  	p0 =	sne.s32 s22, $0x134;
	v5 =	vadd.s32 s23, v1;
	s23 =	sadd.s32 $0xFFFFFFDC, s21  }
0x158: {  	v6 =	vadd.s32 s23, v1;
	s23 =	sadd.s32 $0xFFFFFFEC, s21;
	v4 =	vadd.f32 v4, v2  }
0x159: {  	s20 =	sadd.s32 $0x10, s20;
	v7 =	vadd.s32 s23, v1;
	s23 =	sadd.s32 $0xFFFFFFED, s21  }
0x15a: {  	v8 =	vadd.s32 s23, v1;
	s23 =	sadd.s32 $0xFFFFFFEE, s21;
	[tilespmem:s20+$0x0] =	vst v4  }
0x15b: {  	v3 =	vld.idx.msk [tilespmem:v3+s16+$0x0], $0xffff;
	v4 =	vadd.s32 s23, v1;
	s23 =	sadd.s32 $0xFFFFFFFE, s21  }
0x15c: {  	v5 =	vld.idx.msk [tilespmem:v5+s16+$0x0], $0xffff;
	v9 =	vadd.s32 s23, v1;
	s23 =	sadd.s32 $0xFFFFFFFF, s21  }
0x15d: {  	v6 =	vld.idx.msk [tilespmem:v6+s16+$0x0], $0xffff;
	v10 =	vadd.s32 s23, v1  }
0x15e: {  	v11 =	vadd.s32 s21, v1;
	s21 =	smov.u32 s22;
	v7 =	vld.idx.msk [tilespmem:v7+s16+$0x0], $0xffff  }
0x15f: {  	v8 =	vld.idx.msk [tilespmem:v8+s16+$0x0], $0xffff  }
0x160: {  	v4 =	vld.idx.msk [tilespmem:v4+s16+$0x0], $0xffff  }
0x161: {  	v9 =	vld.idx.msk [tilespmem:v9+s16+$0x0], $0xffff  }
0x162: {  	v3 =	vadd.s32 v5, v3;
	v5 =	vld.idx.msk [tilespmem:v10+s16+$0x0], $0xffff  }
0x163: {  	v3 =	vadd.s32 v6, v3;
	v6 =	vld.idx.msk [tilespmem:v11+s16+$0x0], $0xffff  }
0x164: {  	v3 =	vadd.s32 v7, v3  }
0x165: {  	v3 =	vadd.s32 v8, v3  }
.Ltmp2:
0x166: {  	v3 =	vadd.s32 v4, v3;
	(pc) =	sbr.rel @p0 .LBB2_6-.Ltmp2, $4  }
0x167: {  	v3 =	vadd.s32 v9, v3  }
0x168: {  	v3 =	vadd.s32 v5, v3  }
0x169: {  	s24 =	sadd.s32 $0xFFFFFFDB, s22;
	v4 =	vadd.s32 v6, v3  }
0x16a: {  	s22 =	sadd.s32 $0x12, s22;
	s23 =	sadd.s32 $0xFFFFFFDA, s21;
	v3 =	vadd.s32 s24, v1;
	v4 =	vcvt.s32.f32 v4  }
0x16b: {  	v5 =	vadd.s32 s23, v1;
	s22 =	sadd.s32 $0xFFFFFFDC, s21  }
0x16c: {  	s26 =	sadd.s32 $0xFFFFFFEC, s21;
	v6 =	vadd.s32 s22, v1;
	v4 =	vadd.f32 v4, v2  }
0x16d: {  	s28 =	sadd.s32 $0xFFFFFFED, s21;
	s20 =	sadd.s32 $0x10, s20;
	v7 =	vadd.s32 s26, v1  }
0x16e: {  	s29 =	sadd.s32 $0xFFFFFFEE, s21;
	v8 =	vadd.s32 s28, v1;
	[tilespmem:s20+$0x0] =	vst v4  }
0x16f: {  	s30 =	sadd.s32 $0xFFFFFFFE, s21;
	v4 =	vadd.s32 s29, v1;
	v3 =	vld.idx.msk [tilespmem:v3+s16+$0x0], $0xffff  }
0x170: {  	s31 =	sadd.s32 $0xFFFFFFFF, s21;
	v9 =	vadd.s32 s30, v1;
	v5 =	vld.idx.msk [tilespmem:v5+s16+$0x0], $0xffff  }
0x171: {  	v10 =	vadd.s32 s31, v1;
	v6 =	vld.idx.msk [tilespmem:v6+s16+$0x0], $0xffff  }
0x172: {  	v11 =	vadd.s32 s21, v1;
	v7 =	vld.idx.msk [tilespmem:v7+s16+$0x0], $0xffff  }
0x173: {  	v8 =	vld.idx.msk [tilespmem:v8+s16+$0x0], $0xffff  }
0x174: {  	v4 =	vld.idx.msk [tilespmem:v4+s16+$0x0], $0xffff  }
0x175: {  	v9 =	vld.idx.msk [tilespmem:v9+s16+$0x0], $0xffff;
	v3 =	vadd.s32 v5, v3  }
0x176: {  	v5 =	vld.idx.msk [tilespmem:v10+s16+$0x0], $0xffff;
	v3 =	vadd.s32 v6, v3  }
0x177: {  	v6 =	vld.idx.msk [tilespmem:v11+s16+$0x0], $0xffff;
	v3 =	vadd.s32 v7, v3  }
0x178: {  	v3 =	vadd.s32 v8, v3  }
0x179: {  	v3 =	vadd.s32 v4, v3  }
0x17a: {  	v3 =	vadd.s32 v9, v3  }
0x17b: {  	v3 =	vadd.s32 v5, v3  }
0x17c: {  	s22 =	simm.s32 $0x145;
	v3 =	vadd.s32 v6, v3  }
0x17d: {  	s23 =	simm.s32 $0x144;
	v4 =	vadd.s32 s22, v1;
	v3 =	vcvt.s32.f32 v3  }
0x17e: {  	s24 =	simm.s32 $0x146;
	v5 =	vadd.s32 s23, v1  }
0x17f: {  	s25 =	simm.s32 $0x156;
	v6 =	vadd.s32 s24, v1;
	v3 =	vadd.f32 v3, v2  }
0x180: {  	s26 =	simm.s32 $0x157;
	s20 =	sadd.s32 $0x10, s20;
	v7 =	vadd.s32 s25, v1  }
0x181: {  	s28 =	simm.s32 $0x158;
	[tilespmem:s20+$0x0] =	vst v3;
	v3 =	vadd.s32 s26, v1  }
0x182: {  	v56 =	vadd.s32 s28, v1;
	s29 =	simm.s32 $0x168;
	v4 =	vld.idx.msk [tilespmem:v4+s16+$0x0], $0xffff  }
0x183: {  	s30 =	simm.s32 $0x169;
	v57 =	vadd.s32 s29, v1;
	v5 =	vld.idx.msk [tilespmem:v5+s16+$0x0], $0xffff  }
0x184: {  	s31 =	simm.s32 $0x16A;
	v58 =	vadd.s32 s30, v1;
	v6 =	vld.idx.msk [tilespmem:v6+s16+$0x0], $0xffff  }
0x185: {  	v59 =	vadd.s32 s31, v1;
	v7 =	vld.idx.msk [tilespmem:v7+s16+$0x0], $0xffff  }
0x186: {  	v3 =	vld.idx.msk [tilespmem:v3+s16+$0x0], $0xffff  }
0x187: {  	v8 =	vld.idx.msk [tilespmem:v56+s16+$0x0], $0xffff  }
0x188: {  	v9 =	vld.idx.msk [tilespmem:v57+s16+$0x0], $0xffff;
	v4 =	vadd.s32 v5, v4  }
0x189: {  	v5 =	vld.idx.msk [tilespmem:v58+s16+$0x0], $0xffff;
	v4 =	vadd.s32 v6, v4  }
0x18a: {  	v6 =	vld.idx.msk [tilespmem:v59+s16+$0x0], $0xffff;
	v4 =	vadd.s32 v7, v4  }
0x18b: {  	v3 =	vadd.s32 v3, v4  }
0x18c: {  	v3 =	vadd.s32 v8, v3  }
0x18d: {  	v3 =	vadd.s32 v9, v3  }
0x18e: {  	v3 =	vadd.s32 v5, v3  }
0x18f: {  	s21 =	simm.s32 $0x157;
	v3 =	vadd.s32 v6, v3  }
0x190: {  	s22 =	simm.s32 $0x156;
	v4 =	vadd.s32 s21, v1;
	v3 =	vcvt.s32.f32 v3  }
0x191: {  	s23 =	simm.s32 $0x158;
	v5 =	vadd.s32 s22, v1  }
0x192: {  	s24 =	simm.s32 $0x168;
	v6 =	vadd.s32 s23, v1;
	v3 =	vadd.f32 v3, v2  }
0x193: {  	s25 =	simm.s32 $0x169;
	s20 =	simm.s32 $0x28B0;
	v7 =	vadd.s32 s24, v1  }
0x194: {  	v60 =	vadd.s32 s25, v1;
	s26 =	simm.s32 $0x16A;
	[tilespmem:s20+$0x0] =	vst v3  }
0x195: {  	s28 =	simm.s32 $0x17A;
	v3 =	vld.idx.msk [tilespmem:v4+s16+$0x0], $0xffff;
	v4 =	vadd.s32 s26, v1  }
0x196: {  	v61 =	vadd.s32 s28, v1;
	s29 =	simm.s32 $0x17B;
	v5 =	vld.idx.msk [tilespmem:v5+s16+$0x0], $0xffff  }
0x197: {  	s30 =	simm.s32 $0x17C;
	v62 =	vadd.s32 s29, v1;
	v6 =	vld.idx.msk [tilespmem:v6+s16+$0x0], $0xffff  }
0x198: {  	v63 =	vadd.s32 s30, v1;
	v7 =	vld.idx.msk [tilespmem:v7+s16+$0x0], $0xffff  }
0x199: {  	v8 =	vld.idx.msk [tilespmem:v60+s16+$0x0], $0xffff  }
0x19a: {  	v4 =	vld.idx.msk [tilespmem:v4+s16+$0x0], $0xffff  }
0x19b: {  	v9 =	vld.idx.msk [tilespmem:v61+s16+$0x0], $0xffff;
	v3 =	vadd.s32 v5, v3  }
0x19c: {  	v5 =	vld.idx.msk [tilespmem:v62+s16+$0x0], $0xffff;
	v3 =	vadd.s32 v6, v3  }
0x19d: {  	v6 =	vld.idx.msk [tilespmem:v63+s16+$0x0], $0xffff;
	v3 =	vadd.s32 v7, v3  }
0x19e: {  	v3 =	vadd.s32 v8, v3  }
0x19f: {  	v3 =	vadd.s32 v4, v3  }
0x1a0: {  	v3 =	vadd.s32 v9, v3  }
0x1a1: {  	v3 =	vadd.s32 v5, v3  }
0x1a2: {  	s31 =	simm.s32 $0x169;
	v4 =	vadd.s32 v6, v3  }
0x1a3: {  	s21 =	simm.s32 $0x18E;
	s22 =	simm.s32 $0x1A0;
	s23 =	simm.s32 $0x168;
	v3 =	vadd.s32 s31, v1;
	v4 =	vcvt.s32.f32 v4  }
.LBB2_8:
0x1a4: {  	p0 =	sne.s32 s22, $0x278;
	v5 =	vadd.s32 s23, v1;
	s23 =	sadd.s32 $0xFFFFFFDC, s21  }
0x1a5: {  	v6 =	vadd.s32 s23, v1;
	s23 =	sadd.s32 $0xFFFFFFEC, s21;
	v4 =	vadd.f32 v4, v2  }
0x1a6: {  	s20 =	sadd.s32 $0x10, s20;
	v7 =	vadd.s32 s23, v1;
	s23 =	sadd.s32 $0xFFFFFFED, s21  }
0x1a7: {  	v8 =	vadd.s32 s23, v1;
	s23 =	sadd.s32 $0xFFFFFFEE, s21;
	[tilespmem:s20+$0x0] =	vst v4  }
0x1a8: {  	v3 =	vld.idx.msk [tilespmem:v3+s16+$0x0], $0xffff;
	v4 =	vadd.s32 s23, v1;
	s23 =	sadd.s32 $0xFFFFFFFE, s21  }
0x1a9: {  	v5 =	vld.idx.msk [tilespmem:v5+s16+$0x0], $0xffff;
	v9 =	vadd.s32 s23, v1;
	s23 =	sadd.s32 $0xFFFFFFFF, s21  }
0x1aa: {  	v6 =	vld.idx.msk [tilespmem:v6+s16+$0x0], $0xffff;
	v10 =	vadd.s32 s23, v1  }
0x1ab: {  	v11 =	vadd.s32 s21, v1;
	s21 =	smov.u32 s22;
	v7 =	vld.idx.msk [tilespmem:v7+s16+$0x0], $0xffff  }
0x1ac: {  	v8 =	vld.idx.msk [tilespmem:v8+s16+$0x0], $0xffff  }
0x1ad: {  	v4 =	vld.idx.msk [tilespmem:v4+s16+$0x0], $0xffff  }
0x1ae: {  	v9 =	vld.idx.msk [tilespmem:v9+s16+$0x0], $0xffff  }
0x1af: {  	v3 =	vadd.s32 v5, v3;
	v5 =	vld.idx.msk [tilespmem:v10+s16+$0x0], $0xffff  }
0x1b0: {  	v3 =	vadd.s32 v6, v3;
	v6 =	vld.idx.msk [tilespmem:v11+s16+$0x0], $0xffff  }
0x1b1: {  	v3 =	vadd.s32 v7, v3  }
0x1b2: {  	v3 =	vadd.s32 v8, v3  }
.Ltmp3:
0x1b3: {  	v3 =	vadd.s32 v4, v3;
	(pc) =	sbr.rel @p0 .LBB2_8-.Ltmp3, $4  }
0x1b4: {  	v3 =	vadd.s32 v9, v3  }
0x1b5: {  	v3 =	vadd.s32 v5, v3  }
0x1b6: {  	s24 =	sadd.s32 $0xFFFFFFDB, s22;
	v4 =	vadd.s32 v6, v3  }
0x1b7: {  	s22 =	sadd.s32 $0x12, s22;
	s23 =	sadd.s32 $0xFFFFFFDA, s21;
	v3 =	vadd.s32 s24, v1;
	v4 =	vcvt.s32.f32 v4  }
0x1b8: {  	v5 =	vadd.s32 s23, v1;
	s22 =	sadd.s32 $0xFFFFFFDC, s21  }
0x1b9: {  	s26 =	sadd.s32 $0xFFFFFFEC, s21;
	v6 =	vadd.s32 s22, v1;
	v4 =	vadd.f32 v4, v2  }
0x1ba: {  	s28 =	sadd.s32 $0xFFFFFFED, s21;
	s20 =	sadd.s32 $0x10, s20;
	v7 =	vadd.s32 s26, v1  }
0x1bb: {  	s29 =	sadd.s32 $0xFFFFFFEE, s21;
	v8 =	vadd.s32 s28, v1;
	[tilespmem:s20+$0x0] =	vst v4  }
0x1bc: {  	s30 =	sadd.s32 $0xFFFFFFFE, s21;
	v61 =	vadd.s32 s29, v1;
	v3 =	vld.idx.msk [tilespmem:v3+s16+$0x0], $0xffff  }
0x1bd: {  	s31 =	sadd.s32 $0xFFFFFFFF, s21;
	v9 =	vadd.s32 s30, v1;
	v5 =	vld.idx.msk [tilespmem:v5+s16+$0x0], $0xffff  }
0x1be: {  	v10 =	vadd.s32 s31, v1;
	v6 =	vld.idx.msk [tilespmem:v6+s16+$0x0], $0xffff  }
0x1bf: {  	v11 =	vadd.s32 s21, v1;
	v7 =	vld.idx.msk [tilespmem:v7+s16+$0x0], $0xffff  }
0x1c0: {  	v8 =	vld.idx.msk [tilespmem:v8+s16+$0x0], $0xffff  }
0x1c1: {  	v4 =	vld.idx.msk [tilespmem:v61+s16+$0x0], $0xffff  }
0x1c2: {  	v9 =	vld.idx.msk [tilespmem:v9+s16+$0x0], $0xffff;
	v3 =	vadd.s32 v5, v3  }
0x1c3: {  	v62 =	vld.idx.msk [tilespmem:v10+s16+$0x0], $0xffff;
	v3 =	vadd.s32 v6, v3  }
0x1c4: {  	v63 =	vld.idx.msk [tilespmem:v11+s16+$0x0], $0xffff;
	v3 =	vadd.s32 v7, v3  }
0x1c5: {  	v3 =	vadd.s32 v8, v3  }
0x1c6: {  	v3 =	vadd.s32 v4, v3  }
0x1c7: {  	v3 =	vadd.s32 v9, v3  }
0x1c8: {  	v3 =	vadd.s32 v62, v3  }
0x1c9: {  	v3 =	vadd.s32 v63, v3  }
0x1ca: {  	v3 =	vcvt.s32.f32 v3;
	_ =	sdelay $0x1  }
0x1cb: {  	v2 =	vadd.f32 v3, v2  }
0x1cc: {  	s20 =	sadd.s32 $0x10, s20  }
0x1cd: {  	[tilespmem:s20+$0x0] =	vst v2  }
0x1ce: {  	[hbm4b:s7+s4] =	stream.linear.scatter [tilespmem:s17], [sflag:$0x1], $0x100, $0x38;
	[tilespmem:$0x2BB0] =	vst v63  }
0x1cf: {  	s19 =	sadd.s32 $0x1, s19;
	_ =	swait.ge [sflag:s12], $0x100  }
0x1d0: {  	p0 =	sne.s32 s19, s10;
	[sflag:s12] =	ssyncset.done $0x0  }
.Ltmp4:
0x1d1: {  	[sflag:s12] =	ssyncadd.s32 $0xFFFFFF00;
	(pc) =	sbr.rel @p0 .LBB2_1-.Ltmp4, $4  }
0x1d2: {  	[hbm4b:s9+s4] =	stream.linear.scatter [tilespmem:s18], [sflag:$0x1], $0x100, $0x38;
	[tilespmem:$0x2BB0] =	vst v63  }
0x1d3: {  	_ =	swait.ge [sflag:s12], $0x100  }
0x1d4: {  	[sflag:s12] =	ssyncset.done $0x0  }
0x1d5: {  	[sflag:s12] =	ssyncadd.s32 $0xFFFFFF00  }
0x1d6: {  	_ =	sfence.sel $0x180000  }
0x1d7: {  	[bflag:$0x0] =	sbarrier.arrive $0xFFFF  }
0x1d8: {  	p0 =	sne.s32 s0, $0x0;
	_ =	strace $0x90000047  }
0x1d9: {  	s0 =	sadd.s32 @!p0 $0x100000, s2;
	[bflag:$0x2] =	sbarrier.arrive $0xFFFF  }
0x1da: {  	[sflag:s0] =	ssyncadd.tile.s32 @!p0 $0x1;
	_ =	shalt  }
.Lfunc_end2:
_tile_overlayer_lowered:
.L_overlay_start_2:
0x1db: {  	(tag) =	ssettag $0x2  }
0x1dc: {  	s0 =	rddreg [dreg:$0x0];
	s2 =	stileid.u32  }
0x1dd: {  	s1 =	rddreg [dreg:$0x1];
	p0 =	sne.s32 s2, $0x0  }
0x1de: {  	s3 =	rddreg [dreg:$0x2];
	[bflag:$0x3] =	sbarrier.arrive $0xFFFF;
	s2 =	simm.s32 @!p0 $0x1C01  }
0x1df: {  	[timem:s3], [sflag:s2] =	dma.local @!p0 [hbm:s0], s1  }
0x1e0: {  	s0 =	simm.s32 @!p0 $0x1  }
0x1e1: {  	_ =	swait.ge @!p0 [sflag:s0], s1  }
0x1e2: {  	s1 =	ssub.s32 @!p0 $0x0, s1;
	[sflag:s0] =	ssyncset.done @!p0 $0x0  }
0x1e3: {  	[sflag:s0] =	ssyncadd.s32 @!p0 s1  }
0x1e4: {  	[bflag:$0x3] =	sbarrier.arrive $0xFFFF  }
0x1e5: {  	_ =	shalt  }

</sc_bundles>
